<compile_context>
chip_gen: v7x
topology: tpu7x:2x2x1
jax: 0.10.2.dev20260603
libtpu: 0.0.44.dev20260713+nightly
codegen_flags: <defaults>
</compile_context>

<pallas_src>
import functools

import jax
import jax.numpy as jnp
from jax import lax
from jax.experimental import pallas as pl
from jax.experimental.pallas import tpu as pltpu, tpu_sc as plsc

_INV_SQRT2 = 0.7071067811865476
_BAND = 32
_MAX_SPAN = 30
_TOP_LAMBDA = 0.4
_EPS = 1e-5
_NEG = -1e9


def _mlp_body(x_ref, w_ref, b_ref, g_ref, bt_ref, o_ref):
    y = jnp.dot(x_ref[:].astype(jnp.bfloat16), w_ref[:],
                preferred_element_type=jnp.float32) + b_ref[:]
    y = 0.5 * y * (1.0 + lax.erf(y * _INV_SQRT2))
    mu = jnp.mean(y, axis=-1, keepdims=True)
    yc = y - mu
    var = jnp.mean(yc * yc, axis=-1, keepdims=True)
    o_ref[:] = yc * lax.rsqrt(var + _EPS) * g_ref[:] + bt_ref[:]


def _band_body(sm_ref, emlo_ref, emhi_ref, w_ref, sb_ref, msw_ref, mew_ref,
               o_ref, *, rb, s):
    r = pl.program_id(0)
    sm_b = sm_ref[:].astype(jnp.bfloat16)
    em_win = jnp.concatenate([emlo_ref[:], emhi_ref[:_BAND]],
                             axis=0).astype(jnp.bfloat16)
    temp = jnp.dot(sm_b, w_ref[:], preferred_element_type=jnp.float32) + sb_ref[:]
    sml = jnp.dot(sm_b, msw_ref[:], preferred_element_type=jnp.float32)
    eml = lax.dot_general(mew_ref[:], em_win, (((1,), (1,)), ((), ())),
                          preferred_element_type=jnp.float32)
    m = lax.dot_general(temp.astype(jnp.bfloat16), em_win,
                        (((1,), (1,)), ((), ())),
                        preferred_element_type=jnp.float32) + eml
    w = rb + _BAND
    cio = lax.broadcasted_iota(jnp.int32, (rb, w), 1)
    rio = lax.broadcasted_iota(jnp.int32, (rb, w), 0)
    dio = lax.broadcasted_iota(jnp.int32, (rb, _BAND), 1)

    def dstep(d, acc):
        v = jnp.sum(jnp.where(cio == rio + d, m, 0.0), axis=1, keepdims=True)
        return acc + v * (dio == d).astype(jnp.float32)

    acc = lax.fori_loop(0, _BAND, dstep, jnp.zeros((rb, _BAND), jnp.float32))
    band = acc + sml
    rg = r * rb + lax.broadcasted_iota(jnp.int32, (rb, _BAND), 0)
    ok = (dio < _MAX_SPAN) & (rg + dio < s)
    o_ref[:] = jnp.where(ok, jnp.clip(band, -1e4, 1e4), _NEG)


def _select_body(band_ref, o_ref, *, s, maxk, kpad):
    b = band_ref[:]
    valid = b > -1e8
    mn = jnp.min(jnp.where(valid, b, 1e30))
    mx = jnp.max(b)

    def bis(_, carry):
        lo, hi = carry
        mid = 0.5 * (lo + hi)
        cnt = jnp.sum((b > mid).astype(jnp.float32))
        geq = cnt >= float(maxk)
        return (jnp.where(geq, mid, lo), jnp.where(geq, hi, mid))

    lo, hi = lax.fori_loop(0, 46, bis, (mn - 1.0, mx))
    sel_hi = b > hi
    sel_tie = (b > lo) & jnp.logical_not(sel_hi)
    m_cnt = jnp.sum(sel_hi.astype(jnp.float32))
    need = float(maxk) - m_cnt

    bio_r = lax.broadcasted_iota(jnp.int32, (_BAND, _BAND), 0)
    bio_c = lax.broadcasted_iota(jnp.int32, (_BAND, _BAND), 1)
    u32 = (bio_r < bio_c).astype(jnp.float32)
    ones_col = jnp.ones((_BAND, 1), jnp.float32)

    tio_r = lax.broadcasted_iota(jnp.int32, (s, s), 0)
    tio_c = lax.broadcasted_iota(jnp.int32, (s, s), 1)
    tri = (tio_c < tio_r).astype(jnp.float32)

    tiec = sel_tie.astype(jnp.float32)
    c1_tie = jnp.dot(tiec, u32, preferred_element_type=jnp.float32)
    cnt_tie_col = jnp.dot(tiec, ones_col, preferred_element_type=jnp.float32)
    offs_tie_col = jnp.dot(tri, cnt_tie_col, preferred_element_type=jnp.float32)
    accept = need - offs_tie_col
    sel = sel_hi | (sel_tie & (c1_tie < accept))

    selc = sel.astype(jnp.float32)
    c1 = jnp.dot(selc, u32, preferred_element_type=jnp.float32)
    cnt_row = lax.dot_general(jnp.ones((1, _BAND), jnp.float32), selc,
                              (((1,), (1,)), ((), ())),
                              preferred_element_type=jnp.float32)
    offs_row = lax.dot_general(cnt_row, tri, (((1,), (1,)), ((), ())),
                               preferred_element_type=jnp.float32)

    sio_r = lax.broadcasted_iota(jnp.int32, (s, _BAND), 0)
    sio_c = lax.broadcasted_iota(jnp.int32, (s, _BAND), 1)
    code = (sio_r * _BAND + sio_c).astype(jnp.float32)
    iok = lax.broadcasted_iota(jnp.int32, (kpad, s), 0).astype(jnp.float32)

    vio = lax.broadcasted_iota(jnp.int32, (s, 2 * _BAND), 1)

    def vstep(t, v_acc):
        tf = t.astype(jnp.float32)
        ind = (sel & (c1 == tf)).astype(jnp.float32)
        vcode = jnp.sum(ind * code, axis=1, keepdims=True)
        vml = jnp.sum(ind * b, axis=1, keepdims=True)
        return (v_acc + vcode * (vio == 2 * t).astype(jnp.float32)
                + vml * (vio == 2 * t + 1).astype(jnp.float32))

    v = lax.fori_loop(0, _BAND, vstep, jnp.zeros((s, 2 * _BAND), jnp.float32))
    d0 = (iok == offs_row).astype(jnp.float32)
    contrib = jnp.dot(d0, v, precision=lax.Precision.HIGHEST,
                      preferred_element_type=jnp.float32)
    acc = contrib[:, 0:2]
    for t in range(1, _BAND):
        acc = acc + jnp.concatenate(
            [jnp.zeros((t, 2), jnp.float32), contrib[:kpad - t, 2 * t:2 * t + 2]],
            axis=0)
    o_ref[:] = acc


def _sc_gather_body(sidx_ref, eidx_ref, sc_ref, ec_ref, ts_ref, te_ref,
                    sidx_a, sidx_b, eidx_a, eidx_b, r16, sem, *, nw2):
    cid = lax.axis_index("c")
    sid = lax.axis_index("s")
    wid = sid * 2 + cid

    @pl.when(wid < nw2)
    def _():
        base = pl.multiple_of(wid * 32, 32)
        pltpu.sync_copy(sidx_ref.at[pl.ds(base, 16)], sidx_a)
        pltpu.sync_copy(sidx_ref.at[pl.ds(base + 16, 16)], sidx_b)
        pltpu.sync_copy(eidx_ref.at[pl.ds(base, 16)], eidx_a)
        pltpu.sync_copy(eidx_ref.at[pl.ds(base + 16, 16)], eidx_b)

        def move(tab, idxref, outhbm, row0):
            cp = pltpu.make_async_copy(tab.at[idxref], r16, sem)
            cp.start()
            cp.wait()
            pltpu.sync_copy(r16, outhbm.at[pl.ds(row0, 16)])

        move(sc_ref, sidx_a, ts_ref, base)
        move(sc_ref, sidx_b, ts_ref, base + 16)
        move(ec_ref, eidx_a, te_ref, base)
        move(ec_ref, eidx_b, te_ref, base + 16)


def _pq_body(ts_ref, te_ref, ass_ref, aes_ref, ase_ref, aee_ref, bp_ref, bq_ref,
             p_ref, q_ref):
    ts = ts_ref[:].astype(jnp.bfloat16)
    te = te_ref[:].astype(jnp.bfloat16)
    p_ref[:] = (jnp.dot(ts, ass_ref[:], preferred_element_type=jnp.float32)
                + jnp.dot(te, aes_ref[:], preferred_element_type=jnp.float32)
                + bp_ref[:]).astype(jnp.bfloat16)
    q_ref[:] = (jnp.dot(ts, ase_ref[:], preferred_element_type=jnp.float32)
                + jnp.dot(te, aee_ref[:], preferred_element_type=jnp.float32)
                + bq_ref[:]).astype(jnp.bfloat16)


def _final_body(p_ref, q_ref, ts_ref, te_ref, mlc_ref, mlr_ref, o_ref, *, fb, kpad):
    i = pl.program_id(0)
    nt = (((1,), (1,)), ((), ()))
    c = (lax.dot_general(p_ref[:], ts_ref[:].astype(jnp.bfloat16), nt,
                         preferred_element_type=jnp.float32)
         + lax.dot_general(q_ref[:], te_ref[:].astype(jnp.bfloat16), nt,
                           preferred_element_type=jnp.float32))
    x = c + mlc_ref[:] + mlr_ref[:]
    rg = i * fb + lax.broadcasted_iota(jnp.int32, (fb, kpad), 0)
    cg = lax.broadcasted_iota(jnp.int32, (fb, kpad), 1)
    o_ref[:] = jnp.where(cg < rg, jnp.clip(x, -1e4, 1e4),
                         jnp.clip(x - 1e4, -1e4, 1e4))


def kernel(hidden_states, params, attention_mask):
    p = params
    x = hidden_states[0]
    s, h = x.shape
    f = p['sm_W'].shape[1]
    maxk = int(s * _TOP_LAMBDA)
    kpad = ((maxk + 31) // 32) * 32
    rb = 256 if s % 256 == 0 else s
    nrb = s // rb

    row = lambda v: v.reshape(1, -1)
    bf = lambda v: v.astype(jnp.bfloat16)

    def mlp(pre):
        return pl.pallas_call(
            _mlp_body,
            grid=(nrb,),
            in_specs=[
                pl.BlockSpec((rb, h), lambda i: (i, 0)),
                pl.BlockSpec((h, f), lambda i: (0, 0)),
                pl.BlockSpec((1, f), lambda i: (0, 0)),
                pl.BlockSpec((1, f), lambda i: (0, 0)),
                pl.BlockSpec((1, f), lambda i: (0, 0)),
            ],
            out_specs=pl.BlockSpec((rb, f), lambda i: (i, 0)),
            out_shape=jax.ShapeDtypeStruct((s, f), jnp.float32),
        )(x, bf(p[pre + '_W']), row(p[pre + '_b']), row(p[pre + '_g']),
          row(p[pre + '_beta']))

    sm = mlp('sm')
    em = mlp('em')
    scv = mlp('sc')
    ecv = mlp('ec')

    last = nrb - 1
    band = pl.pallas_call(
        functools.partial(_band_body, rb=rb, s=s),
        grid=(nrb,),
        in_specs=[
            pl.BlockSpec((rb, f), lambda i: (i, 0)),
            pl.BlockSpec((rb, f), lambda i: (i, 0)),
            pl.BlockSpec((rb, f), lambda i: (jnp.minimum(i + 1, last), 0)),
            pl.BlockSpec((f, f), lambda i: (0, 0)),
            pl.BlockSpec((1, f), lambda i: (0, 0)),
            pl.BlockSpec((f, 1), lambda i: (0, 0)),
            pl.BlockSpec((1, f), lambda i: (0, 0)),
        ],
        out_specs=pl.BlockSpec((rb, _BAND), lambda i: (i, 0)),
        out_shape=jax.ShapeDtypeStruct((s, _BAND), jnp.float32),
    )(sm, em, em, bf(p['s2e_W']), row(p['s2e_b']), bf(p['ms_W']),
      bf(row(p['me_W'][:, 0])))

    sel_out = pl.pallas_call(
        functools.partial(_select_body, s=s, maxk=maxk, kpad=kpad),
        in_specs=[pl.BlockSpec((s, _BAND), lambda: (0, 0))],
        out_specs=pl.BlockSpec((kpad, 2), lambda: (0, 0)),
        out_shape=jax.ShapeDtypeStruct((kpad, 2), jnp.float32),
    )(band)

    code = jnp.round(sel_out[:, 0])
    ci = jnp.clip(code, 0.0, float(s * _BAND - 1)).astype(jnp.int32)
    sidx = jnp.clip(ci // _BAND, 0, s - 1)
    eidx = jnp.clip(sidx + (ci % _BAND), 0, s - 1)
    mlc = sel_out[:, 1:2]
    mlr = mlc.reshape(1, kpad)

    ts, te = pl.kernel(
        functools.partial(_sc_gather_body, nw2=kpad // 32),
        out_type=[jax.ShapeDtypeStruct((kpad, f), jnp.float32),
                  jax.ShapeDtypeStruct((kpad, f), jnp.float32)],
        mesh=plsc.VectorSubcoreMesh(core_axis_name="c", subcore_axis_name="s"),
        scratch_types=[
            pltpu.VMEM((16,), jnp.int32),
            pltpu.VMEM((16,), jnp.int32),
            pltpu.VMEM((16,), jnp.int32),
            pltpu.VMEM((16,), jnp.int32),
            pltpu.VMEM((16, f), jnp.float32),
            pltpu.SemaphoreType.DMA,
        ],
    )(sidx, eidx, scv, ecv)

    cb = 256 if f % 256 == 0 else f
    ncb = f // cb
    bp = row(p['a_s2s_b'] + p['a_e2s_b'])
    bq = row(p['a_s2e_b'] + p['a_e2e_b'])
    pm, qm = pl.pallas_call(
        _pq_body,
        grid=(ncb,),
        in_specs=[
            pl.BlockSpec((kpad, f), lambda j: (0, 0)),
            pl.BlockSpec((kpad, f), lambda j: (0, 0)),
            pl.BlockSpec((f, cb), lambda j: (0, j)),
            pl.BlockSpec((f, cb), lambda j: (0, j)),
            pl.BlockSpec((f, cb), lambda j: (0, j)),
            pl.BlockSpec((f, cb), lambda j: (0, j)),
            pl.BlockSpec((1, cb), lambda j: (0, j)),
            pl.BlockSpec((1, cb), lambda j: (0, j)),
        ],
        out_specs=[
            pl.BlockSpec((kpad, cb), lambda j: (0, j)),
            pl.BlockSpec((kpad, cb), lambda j: (0, j)),
        ],
        out_shape=[
            jax.ShapeDtypeStruct((kpad, f), jnp.bfloat16),
            jax.ShapeDtypeStruct((kpad, f), jnp.bfloat16),
        ],
    )(ts, te, bf(p['a_s2s_W']), bf(p['a_e2s_W']), bf(p['a_s2e_W']),
      bf(p['a_e2e_W']), bp, bq)

    fb = kpad // 4 if (kpad // 4) % 8 == 0 else kpad
    nfb = kpad // fb
    out = pl.pallas_call(
        functools.partial(_final_body, fb=fb, kpad=kpad),
        grid=(nfb,),
        in_specs=[
            pl.BlockSpec((fb, f), lambda i: (i, 0)),
            pl.BlockSpec((fb, f), lambda i: (i, 0)),
            pl.BlockSpec((kpad, f), lambda i: (0, 0)),
            pl.BlockSpec((kpad, f), lambda i: (0, 0)),
            pl.BlockSpec((fb, 1), lambda i: (i, 0)),
            pl.BlockSpec((1, kpad), lambda i: (0, 0)),
        ],
        out_specs=pl.BlockSpec((fb, kpad), lambda i: (i, 0)),
        out_shape=jax.ShapeDtypeStruct((kpad, kpad), jnp.float32),
    )(pm, qm, ts, te, mlc, mlr)

    return out[None, :maxk, :maxk]

# --- scband reference (transcript-rebuilt; emitter-appended) ---
"""Pipeline reference for scband-s2-ecoref-66640712564939 (READ-ONLY COPY).

The authoritative reference and input builder live on the scoring server;
editing this copy changes nothing except your own understanding.
"""

import jax, jax.numpy as jnp
import numpy as np

B, S, HIDDEN, FFNN = 1, 2048, 1024, 2048
MAX_SPAN_LENGTH = 30
TOP_LAMBDA = 0.4
EPS = 1e-5
MAX_K = int(S * TOP_LAMBDA)  # 819, matches torch (lens*lambda).int() with full attention mask


def setup_inputs(seed: int = 0) -> dict:
    key = jax.random.key(seed)
    ks = jax.random.split(key, 40)
    hidden_states = jax.random.normal(ks[0], (B, S, HIDDEN), dtype=jnp.float32)
    attention_mask = jnp.ones((B, S), dtype=jnp.int32)

    def mk(k, shape):
        return jax.random.normal(k, shape, dtype=jnp.float32) * 0.02

    params = {}
    i = 1
    for pre in ['sm', 'em', 'sc', 'ec']:  # start/end mention mlp, start/end coref mlp
        params[pre + '_W'] = mk(ks[i], (HIDDEN, FFNN)); i += 1
        params[pre + '_b'] = jnp.zeros((FFNN,), jnp.float32)
        params[pre + '_g'] = jnp.ones((FFNN,), jnp.float32)
        params[pre + '_beta'] = jnp.zeros((FFNN,), jnp.float32)
    params['ms_W'] = mk(ks[i], (FFNN, 1)); i += 1
    params['ms_b'] = jnp.zeros((1,), jnp.float32)
    params['me_W'] = mk(ks[i], (FFNN, 1)); i += 1
    params['me_b'] = jnp.zeros((1,), jnp.float32)
    params['s2e_W'] = mk(ks[i], (FFNN, FFNN)); i += 1
    params['s2e_b'] = jnp.zeros((FFNN,), jnp.float32)
    for pre in ['a_s2s', 'a_e2e', 'a_s2e', 'a_e2s']:
        params[pre + '_W'] = mk(ks[i], (FFNN, FFNN)); i += 1
        params[pre + '_b'] = jnp.zeros((FFNN,), jnp.float32)
    return {'hidden_states': hidden_states, 'params': params, 'attention_mask': attention_mask}


def _ln(x, g, b):
    mu = jnp.mean(x, axis=-1, keepdims=True)
    var = jnp.mean((x - mu) ** 2, axis=-1, keepdims=True)
    return (x - mu) / jnp.sqrt(var + EPS) * g + b


def _mlp(x, W, b, g, beta):
    # dense -> GELU (exact, torch default) -> LayerNorm; dropout is identity at eval
    return _ln(jax.nn.gelu(x @ W + b, approximate=False), g, beta)


def _mask_tensor(t, mask):
    t = t + (1.0 - mask.astype(jnp.float32)) * -10000.0
    return jnp.clip(t, -10000.0, 10000.0)


def _forward(hidden_states, params, attention_mask):
    p = params
    sm = _mlp(hidden_states, p['sm_W'], p['sm_b'], p['sm_g'], p['sm_beta'])
    em = _mlp(hidden_states, p['em_W'], p['em_b'], p['em_g'], p['em_beta'])
    sc = _mlp(hidden_states, p['sc_W'], p['sc_b'], p['sc_g'], p['sc_beta'])
    ec = _mlp(hidden_states, p['ec_W'], p['ec_b'], p['ec_g'], p['ec_beta'])
    # mention logits
    sml = (sm @ p['ms_W'] + p['ms_b'])[..., 0]
    eml = (em @ p['me_W'] + p['me_b'])[..., 0]
    temp = sm @ p['s2e_W'] + p['s2e_b']
    joint = jnp.einsum('bif,bjf->bij', temp, em)
    mention_logits = joint + sml[:, :, None] + eml[:, None, :]
    span_ok = jnp.tril(jnp.triu(jnp.ones((S, S), jnp.float32), 0), MAX_SPAN_LENGTH - 1)
    mention_logits = _mask_tensor(mention_logits, span_ok[None, :, :])
    # prune top-k spans
    lens = jnp.sum(attention_mask, axis=-1)
    k = (lens.astype(jnp.float32) * TOP_LAMBDA).astype(jnp.int32)
    _, topk_idx = jax.lax.top_k(mention_logits.reshape(B, -1), MAX_K)
    span_mask = (jnp.arange(MAX_K)[None, :] < k[:, None]).astype(jnp.int32)
    topk_idx = topk_idx * span_mask + (1 - span_mask) * (S * S - 1)
    sorted_idx = jnp.sort(topk_idx, axis=-1)
    starts = sorted_idx // S
    ends = sorted_idx % S
    bidx = jnp.arange(B)[:, None]
    topk_ml = mention_logits[bidx, starts, ends]
    topk_pair = topk_ml[:, :, None] + topk_ml[:, None, :]
    # antecedent (coref) logits over pruned spans
    ts = sc[bidx, starts]
    te = ec[bidx, ends]
    coref = jnp.einsum('bif,bjf->bij', ts @ p['a_s2s_W'] + p['a_s2s_b'], ts)
    coref = coref + jnp.einsum('bif,bjf->bij', te @ p['a_e2e_W'] + p['a_e2e_b'], te)
    coref = coref + jnp.einsum('bif,bjf->bij', ts @ p['a_s2e_W'] + p['a_s2e_b'], te)
    coref = coref + jnp.einsum('bif,bjf->bij', te @ p['a_e2s_W'] + p['a_e2s_b'], ts)
    final = topk_pair + coref
    ante_mask = jnp.tril(jnp.ones((B, MAX_K, MAX_K), jnp.float32), -1)
    ante_mask = ante_mask * span_mask[:, :, None].astype(jnp.float32)
    final = _mask_tensor(final, ante_mask)
    return final


def reference(hidden_states, params, attention_mask):
    return _forward(hidden_states, params, attention_mask)

if __name__ == "__main__":
    import jax
    _d = setup_inputs()
    print(jax.jit(kernel)(*tuple(_d.values())))

</pallas_src>

<mosaic_0001>
#map = affine_map<(d0, d1) -> (0)>
#map1 = affine_map<(d0, d1) -> (0, 0)>
module attributes {stable_mosaic.version = 14 : i64} {
  func.func @_sc_gather_body(%arg0: i32, %arg1: i32, %arg2: memref<832xi32, #tpu.memory_space<hbm>>, %arg3: memref<832xi32, #tpu.memory_space<hbm>>, %arg4: memref<2048x2048xf32, #tpu.memory_space<hbm>>, %arg5: memref<2048x2048xf32, #tpu.memory_space<hbm>>, %arg6: memref<832x2048xf32, #tpu.memory_space<hbm>>, %arg7: memref<832x2048xf32, #tpu.memory_space<hbm>>, %arg8: memref<16xi32, #tpu.memory_space<vmem>>, %arg9: memref<16xi32, #tpu.memory_space<vmem>>, %arg10: memref<16xi32, #tpu.memory_space<vmem>>, %arg11: memref<16xi32, #tpu.memory_space<vmem>>, %arg12: memref<16x2048xf32, #tpu.memory_space<vmem>>, %arg13: memref<!tpu.dma_semaphore, #tpu.memory_space<semaphore_mem>>) attributes {dimension_semantics = [#tpu.dimension_semantics<core_parallel>, #tpu.dimension_semantics<subcore_parallel>], iteration_bounds = array<i64: 2, 16>, scalar_prefetch = 0 : i64, scratch_operands = 6 : i64, tpu.core_type = #tpu.core_type<sc_vector_subcore>, window_params = [{transform_indices = #map}, {transform_indices = #map}, {transform_indices = #map1}, {transform_indices = #map1}, {transform_indices = #map1}, {transform_indices = #map1}]} {
    %mul3A = arith.constant 2 : i32
    %mul3A_0 = arith.muli %arg1, %mul3A : i32
    %add3A = arith.addi %mul3A_0, %arg0 : i32
    %lt3A = arith.constant 26 : i32
    %lt3A_1 = arith.cmpi slt, %add3A, %lt3A : i32
    %convert_element_type3A = arith.extui %lt3A_1 : i1 to i32
    %cond3A = arith.constant 0 : i32
    %cond3A_2 = arith.cmpi ne, %convert_element_type3A, %cond3A : i32
    scf.if %cond3A_2 {
      %mul3A_3 = arith.constant 32 : i32
      %mul3A_4 = arith.muli %add3A, %mul3A_3 : i32
      %multiple_of3A = tpu.assume_multiple %mul3A_4, 32 : i32
      "tpu.region"() ({
        %run_scoped3A = tpu.sem_alloc : memref<!tpu.dma_semaphore, #tpu.memory_space<semaphore_mem>>
        %dma_start3A_35 = tpu.memref_slice %arg2[%multiple_of3A] : memref<832xi32, #tpu.memory_space<hbm>> -> memref<16xi32, #tpu.memory_space<hbm>>
        %dma_start3A_36 = tpu.memref_slice %arg2[%multiple_of3A] : memref<832xi32, #tpu.memory_space<hbm>> -> memref<16xi32, #tpu.memory_space<hbm>>
        tpu.enqueue_dma source(%dma_start3A_36 : memref<16xi32, #tpu.memory_space<hbm>>) target(%arg8 : memref<16xi32, #tpu.memory_space<vmem>>) target_semaphore(%run_scoped3A : memref<!tpu.dma_semaphore, #tpu.memory_space<semaphore_mem>>)
        %dma_wait3A_37 = tpu.memref_slice %arg2[%multiple_of3A] : memref<832xi32, #tpu.memory_space<hbm>> -> memref<16xi32, #tpu.memory_space<hbm>>
        %dma_wait3A_38 = tpu.memref_slice %arg2[%multiple_of3A] : memref<832xi32, #tpu.memory_space<hbm>> -> memref<16xi32, #tpu.memory_space<hbm>>
        tpu.wait_dma2 semaphore(%run_scoped3A : memref<!tpu.dma_semaphore, #tpu.memory_space<semaphore_mem>>) src(%dma_wait3A_38 : memref<16xi32, #tpu.memory_space<hbm>>) dst(%arg8 : memref<16xi32, #tpu.memory_space<vmem>>)
        tpu.yield
      }) : () -> ()
      %add3A_5 = arith.constant 16 : i32
      %add3A_6 = arith.addi %multiple_of3A, %add3A_5 : i32
      "tpu.region"() ({
        %run_scoped3A = tpu.sem_alloc : memref<!tpu.dma_semaphore, #tpu.memory_space<semaphore_mem>>
        %dma_start3A_35 = tpu.memref_slice %arg2[%add3A_6] : memref<832xi32, #tpu.memory_space<hbm>> -> memref<16xi32, #tpu.memory_space<hbm>>
        %dma_start3A_36 = tpu.memref_slice %arg2[%add3A_6] : memref<832xi32, #tpu.memory_space<hbm>> -> memref<16xi32, #tpu.memory_space<hbm>>
        tpu.enqueue_dma source(%dma_start3A_36 : memref<16xi32, #tpu.memory_space<hbm>>) target(%arg9 : memref<16xi32, #tpu.memory_space<vmem>>) target_semaphore(%run_scoped3A : memref<!tpu.dma_semaphore, #tpu.memory_space<semaphore_mem>>)
        %dma_wait3A_37 = tpu.memref_slice %arg2[%add3A_6] : memref<832xi32, #tpu.memory_space<hbm>> -> memref<16xi32, #tpu.memory_space<hbm>>
        %dma_wait3A_38 = tpu.memref_slice %arg2[%add3A_6] : memref<832xi32, #tpu.memory_space<hbm>> -> memref<16xi32, #tpu.memory_space<hbm>>
        tpu.wait_dma2 semaphore(%run_scoped3A : memref<!tpu.dma_semaphore, #tpu.memory_space<semaphore_mem>>) src(%dma_wait3A_38 : memref<16xi32, #tpu.memory_space<hbm>>) dst(%arg9 : memref<16xi32, #tpu.memory_space<vmem>>)
        tpu.yield
      }) : () -> ()
      "tpu.region"() ({
        %run_scoped3A = tpu.sem_alloc : memref<!tpu.dma_semaphore, #tpu.memory_space<semaphore_mem>>
        %dma_start3A_35 = tpu.memref_slice %arg3[%multiple_of3A] : memref<832xi32, #tpu.memory_space<hbm>> -> memref<16xi32, #tpu.memory_space<hbm>>
        %dma_start3A_36 = tpu.memref_slice %arg3[%multiple_of3A] : memref<832xi32, #tpu.memory_space<hbm>> -> memref<16xi32, #tpu.memory_space<hbm>>
        tpu.enqueue_dma source(%dma_start3A_36 : memref<16xi32, #tpu.memory_space<hbm>>) target(%arg10 : memref<16xi32, #tpu.memory_space<vmem>>) target_semaphore(%run_scoped3A : memref<!tpu.dma_semaphore, #tpu.memory_space<semaphore_mem>>)
        %dma_wait3A_37 = tpu.memref_slice %arg3[%multiple_of3A] : memref<832xi32, #tpu.memory_space<hbm>> -> memref<16xi32, #tpu.memory_space<hbm>>
        %dma_wait3A_38 = tpu.memref_slice %arg3[%multiple_of3A] : memref<832xi32, #tpu.memory_space<hbm>> -> memref<16xi32, #tpu.memory_space<hbm>>
        tpu.wait_dma2 semaphore(%run_scoped3A : memref<!tpu.dma_semaphore, #tpu.memory_space<semaphore_mem>>) src(%dma_wait3A_38 : memref<16xi32, #tpu.memory_space<hbm>>) dst(%arg10 : memref<16xi32, #tpu.memory_space<vmem>>)
        tpu.yield
      }) : () -> ()
      %add3A_7 = arith.constant 16 : i32
      %add3A_8 = arith.addi %multiple_of3A, %add3A_7 : i32
      "tpu.region"() ({
        %run_scoped3A = tpu.sem_alloc : memref<!tpu.dma_semaphore, #tpu.memory_space<semaphore_mem>>
        %dma_start3A_35 = tpu.memref_slice %arg3[%add3A_8] : memref<832xi32, #tpu.memory_space<hbm>> -> memref<16xi32, #tpu.memory_space<hbm>>
        %dma_start3A_36 = tpu.memref_slice %arg3[%add3A_8] : memref<832xi32, #tpu.memory_space<hbm>> -> memref<16xi32, #tpu.memory_space<hbm>>
        tpu.enqueue_dma source(%dma_start3A_36 : memref<16xi32, #tpu.memory_space<hbm>>) target(%arg11 : memref<16xi32, #tpu.memory_space<vmem>>) target_semaphore(%run_scoped3A : memref<!tpu.dma_semaphore, #tpu.memory_space<semaphore_mem>>)
        %dma_wait3A_37 = tpu.memref_slice %arg3[%add3A_8] : memref<832xi32, #tpu.memory_space<hbm>> -> memref<16xi32, #tpu.memory_space<hbm>>
        %dma_wait3A_38 = tpu.memref_slice %arg3[%add3A_8] : memref<832xi32, #tpu.memory_space<hbm>> -> memref<16xi32, #tpu.memory_space<hbm>>
        tpu.wait_dma2 semaphore(%run_scoped3A : memref<!tpu.dma_semaphore, #tpu.memory_space<semaphore_mem>>) src(%dma_wait3A_38 : memref<16xi32, #tpu.memory_space<hbm>>) dst(%arg11 : memref<16xi32, #tpu.memory_space<vmem>>)
        tpu.yield
      }) : () -> ()
      %dma_start3A = arith.constant 0 : i32
      %dma_start3A_9 = arith.constant 0 : i32
      %dma_start3A_10 = tpu.memref_slice %arg4[%dma_start3A, %dma_start3A_9] : memref<2048x2048xf32, #tpu.memory_space<hbm>> -> memref<2048x2048xf32, #tpu.memory_space<hbm>>
      tpu.enqueue_indirect_dma source(%dma_start3A_10 : memref<2048x2048xf32, #tpu.memory_space<hbm>>) target(%arg12 : memref<16x2048xf32, #tpu.memory_space<vmem>>) offsets(%arg8 : memref<16xi32, #tpu.memory_space<vmem>>) semaphore(%arg13 : memref<!tpu.dma_semaphore, #tpu.memory_space<semaphore_mem>>)
      %dma_wait3A = arith.constant 0 : i32
      %dma_wait3A_11 = arith.constant 0 : i32
      %dma_wait3A_12 = tpu.memref_slice %arg4[%dma_wait3A, %dma_wait3A_11] : memref<2048x2048xf32, #tpu.memory_space<hbm>> -> memref<2048x2048xf32, #tpu.memory_space<hbm>>
      tpu.wait_indirect_dma semaphore(%arg13 : memref<!tpu.dma_semaphore, #tpu.memory_space<semaphore_mem>>) src(%dma_wait3A_12 : memref<2048x2048xf32, #tpu.memory_space<hbm>>) dst(%arg12 : memref<16x2048xf32, #tpu.memory_space<vmem>>)
      "tpu.region"() ({
        %run_scoped3A = tpu.sem_alloc : memref<!tpu.dma_semaphore, #tpu.memory_space<semaphore_mem>>
        %dma_start3A_35 = arith.constant 0 : i32
        %dma_start3A_36 = tpu.memref_slice %arg6[%multiple_of3A, %dma_start3A_35] : memref<832x2048xf32, #tpu.memory_space<hbm>> -> memref<16x2048xf32, #tpu.memory_space<hbm>>
        %dma_start3A_37 = arith.constant 0 : i32
        %dma_start3A_38 = tpu.memref_slice %arg6[%multiple_of3A, %dma_start3A_37] : memref<832x2048xf32, #tpu.memory_space<hbm>> -> memref<16x2048xf32, #tpu.memory_space<hbm>>
        tpu.enqueue_dma source(%arg12 : memref<16x2048xf32, #tpu.memory_space<vmem>>) target(%dma_start3A_38 : memref<16x2048xf32, #tpu.memory_space<hbm>>) target_semaphore(%run_scoped3A : memref<!tpu.dma_semaphore, #tpu.memory_space<semaphore_mem>>)
        %dma_wait3A_39 = arith.constant 0 : i32
        %dma_wait3A_40 = tpu.memref_slice %arg6[%multiple_of3A, %dma_wait3A_39] : memref<832x2048xf32, #tpu.memory_space<hbm>> -> memref<16x2048xf32, #tpu.memory_space<hbm>>
        %dma_wait3A_41 = arith.constant 0 : i32
        %dma_wait3A_42 = tpu.memref_slice %arg6[%multiple_of3A, %dma_wait3A_41] : memref<832x2048xf32, #tpu.memory_space<hbm>> -> memref<16x2048xf32, #tpu.memory_space<hbm>>
        tpu.wait_dma2 semaphore(%run_scoped3A : memref<!tpu.dma_semaphore, #tpu.memory_space<semaphore_mem>>) src(%arg12 : memref<16x2048xf32, #tpu.memory_space<vmem>>) dst(%dma_wait3A_42 : memref<16x2048xf32, #tpu.memory_space<hbm>>)
        tpu.yield
      }) : () -> ()
      %add3A_13 = arith.constant 16 : i32
      %add3A_14 = arith.addi %multiple_of3A, %add3A_13 : i32
      %dma_start3A_15 = arith.constant 0 : i32
      %dma_start3A_16 = arith.constant 0 : i32
      %dma_start3A_17 = tpu.memref_slice %arg4[%dma_start3A_15, %dma_start3A_16] : memref<2048x2048xf32, #tpu.memory_space<hbm>> -> memref<2048x2048xf32, #tpu.memory_space<hbm>>
      tpu.enqueue_indirect_dma source(%dma_start3A_17 : memref<2048x2048xf32, #tpu.memory_space<hbm>>) target(%arg12 : memref<16x2048xf32, #tpu.memory_space<vmem>>) offsets(%arg9 : memref<16xi32, #tpu.memory_space<vmem>>) semaphore(%arg13 : memref<!tpu.dma_semaphore, #tpu.memory_space<semaphore_mem>>)
      %dma_wait3A_18 = arith.constant 0 : i32
      %dma_wait3A_19 = arith.constant 0 : i32
      %dma_wait3A_20 = tpu.memref_slice %arg4[%dma_wait3A_18, %dma_wait3A_19] : memref<2048x2048xf32, #tpu.memory_space<hbm>> -> memref<2048x2048xf32, #tpu.memory_space<hbm>>
      tpu.wait_indirect_dma semaphore(%arg13 : memref<!tpu.dma_semaphore, #tpu.memory_space<semaphore_mem>>) src(%dma_wait3A_20 : memref<2048x2048xf32, #tpu.memory_space<hbm>>) dst(%arg12 : memref<16x2048xf32, #tpu.memory_space<vmem>>)
      "tpu.region"() ({
        %run_scoped3A = tpu.sem_alloc : memref<!tpu.dma_semaphore, #tpu.memory_space<semaphore_mem>>
        %dma_start3A_35 = arith.constant 0 : i32
        %dma_start3A_36 = tpu.memref_slice %arg6[%add3A_14, %dma_start3A_35] : memref<832x2048xf32, #tpu.memory_space<hbm>> -> memref<16x2048xf32, #tpu.memory_space<hbm>>
        %dma_start3A_37 = arith.constant 0 : i32
        %dma_start3A_38 = tpu.memref_slice %arg6[%add3A_14, %dma_start3A_37] : memref<832x2048xf32, #tpu.memory_space<hbm>> -> memref<16x2048xf32, #tpu.memory_space<hbm>>
        tpu.enqueue_dma source(%arg12 : memref<16x2048xf32, #tpu.memory_space<vmem>>) target(%dma_start3A_38 : memref<16x2048xf32, #tpu.memory_space<hbm>>) target_semaphore(%run_scoped3A : memref<!tpu.dma_semaphore, #tpu.memory_space<semaphore_mem>>)
        %dma_wait3A_39 = arith.constant 0 : i32
        %dma_wait3A_40 = tpu.memref_slice %arg6[%add3A_14, %dma_wait3A_39] : memref<832x2048xf32, #tpu.memory_space<hbm>> -> memref<16x2048xf32, #tpu.memory_space<hbm>>
        %dma_wait3A_41 = arith.constant 0 : i32
        %dma_wait3A_42 = tpu.memref_slice %arg6[%add3A_14, %dma_wait3A_41] : memref<832x2048xf32, #tpu.memory_space<hbm>> -> memref<16x2048xf32, #tpu.memory_space<hbm>>
        tpu.wait_dma2 semaphore(%run_scoped3A : memref<!tpu.dma_semaphore, #tpu.memory_space<semaphore_mem>>) src(%arg12 : memref<16x2048xf32, #tpu.memory_space<vmem>>) dst(%dma_wait3A_42 : memref<16x2048xf32, #tpu.memory_space<hbm>>)
        tpu.yield
      }) : () -> ()
      %dma_start3A_21 = arith.constant 0 : i32
      %dma_start3A_22 = arith.constant 0 : i32
      %dma_start3A_23 = tpu.memref_slice %arg5[%dma_start3A_21, %dma_start3A_22] : memref<2048x2048xf32, #tpu.memory_space<hbm>> -> memref<2048x2048xf32, #tpu.memory_space<hbm>>
      tpu.enqueue_indirect_dma source(%dma_start3A_23 : memref<2048x2048xf32, #tpu.memory_space<hbm>>) target(%arg12 : memref<16x2048xf32, #tpu.memory_space<vmem>>) offsets(%arg10 : memref<16xi32, #tpu.memory_space<vmem>>) semaphore(%arg13 : memref<!tpu.dma_semaphore, #tpu.memory_space<semaphore_mem>>)
      %dma_wait3A_24 = arith.constant 0 : i32
      %dma_wait3A_25 = arith.constant 0 : i32
      %dma_wait3A_26 = tpu.memref_slice %arg5[%dma_wait3A_24, %dma_wait3A_25] : memref<2048x2048xf32, #tpu.memory_space<hbm>> -> memref<2048x2048xf32, #tpu.memory_space<hbm>>
      tpu.wait_indirect_dma semaphore(%arg13 : memref<!tpu.dma_semaphore, #tpu.memory_space<semaphore_mem>>) src(%dma_wait3A_26 : memref<2048x2048xf32, #tpu.memory_space<hbm>>) dst(%arg12 : memref<16x2048xf32, #tpu.memory_space<vmem>>)
      "tpu.region"() ({
        %run_scoped3A = tpu.sem_alloc : memref<!tpu.dma_semaphore, #tpu.memory_space<semaphore_mem>>
        %dma_start3A_35 = arith.constant 0 : i32
        %dma_start3A_36 = tpu.memref_slice %arg7[%multiple_of3A, %dma_start3A_35] : memref<832x2048xf32, #tpu.memory_space<hbm>> -> memref<16x2048xf32, #tpu.memory_space<hbm>>
        %dma_start3A_37 = arith.constant 0 : i32
        %dma_start3A_38 = tpu.memref_slice %arg7[%multiple_of3A, %dma_start3A_37] : memref<832x2048xf32, #tpu.memory_space<hbm>> -> memref<16x2048xf32, #tpu.memory_space<hbm>>
        tpu.enqueue_dma source(%arg12 : memref<16x2048xf32, #tpu.memory_space<vmem>>) target(%dma_start3A_38 : memref<16x2048xf32, #tpu.memory_space<hbm>>) target_semaphore(%run_scoped3A : memref<!tpu.dma_semaphore, #tpu.memory_space<semaphore_mem>>)
        %dma_wait3A_39 = arith.constant 0 : i32
        %dma_wait3A_40 = tpu.memref_slice %arg7[%multiple_of3A, %dma_wait3A_39] : memref<832x2048xf32, #tpu.memory_space<hbm>> -> memref<16x2048xf32, #tpu.memory_space<hbm>>
        %dma_wait3A_41 = arith.constant 0 : i32
        %dma_wait3A_42 = tpu.memref_slice %arg7[%multiple_of3A, %dma_wait3A_41] : memref<832x2048xf32, #tpu.memory_space<hbm>> -> memref<16x2048xf32, #tpu.memory_space<hbm>>
        tpu.wait_dma2 semaphore(%run_scoped3A : memref<!tpu.dma_semaphore, #tpu.memory_space<semaphore_mem>>) src(%arg12 : memref<16x2048xf32, #tpu.memory_space<vmem>>) dst(%dma_wait3A_42 : memref<16x2048xf32, #tpu.memory_space<hbm>>)
        tpu.yield
      }) : () -> ()
      %add3A_27 = arith.constant 16 : i32
      %add3A_28 = arith.addi %multiple_of3A, %add3A_27 : i32
      %dma_start3A_29 = arith.constant 0 : i32
      %dma_start3A_30 = arith.constant 0 : i32
      %dma_start3A_31 = tpu.memref_slice %arg5[%dma_start3A_29, %dma_start3A_30] : memref<2048x2048xf32, #tpu.memory_space<hbm>> -> memref<2048x2048xf32, #tpu.memory_space<hbm>>
      tpu.enqueue_indirect_dma source(%dma_start3A_31 : memref<2048x2048xf32, #tpu.memory_space<hbm>>) target(%arg12 : memref<16x2048xf32, #tpu.memory_space<vmem>>) offsets(%arg11 : memref<16xi32, #tpu.memory_space<vmem>>) semaphore(%arg13 : memref<!tpu.dma_semaphore, #tpu.memory_space<semaphore_mem>>)
      %dma_wait3A_32 = arith.constant 0 : i32
      %dma_wait3A_33 = arith.constant 0 : i32
      %dma_wait3A_34 = tpu.memref_slice %arg5[%dma_wait3A_32, %dma_wait3A_33] : memref<2048x2048xf32, #tpu.memory_space<hbm>> -> memref<2048x2048xf32, #tpu.memory_space<hbm>>
      tpu.wait_indirect_dma semaphore(%arg13 : memref<!tpu.dma_semaphore, #tpu.memory_space<semaphore_mem>>) src(%dma_wait3A_34 : memref<2048x2048xf32, #tpu.memory_space<hbm>>) dst(%arg12 : memref<16x2048xf32, #tpu.memory_space<vmem>>)
      "tpu.region"() ({
        %run_scoped3A = tpu.sem_alloc : memref<!tpu.dma_semaphore, #tpu.memory_space<semaphore_mem>>
        %dma_start3A_35 = arith.constant 0 : i32
        %dma_start3A_36 = tpu.memref_slice %arg7[%add3A_28, %dma_start3A_35] : memref<832x2048xf32, #tpu.memory_space<hbm>> -> memref<16x2048xf32, #tpu.memory_space<hbm>>
        %dma_start3A_37 = arith.constant 0 : i32
        %dma_start3A_38 = tpu.memref_slice %arg7[%add3A_28, %dma_start3A_37] : memref<832x2048xf32, #tpu.memory_space<hbm>> -> memref<16x2048xf32, #tpu.memory_space<hbm>>
        tpu.enqueue_dma source(%arg12 : memref<16x2048xf32, #tpu.memory_space<vmem>>) target(%dma_start3A_38 : memref<16x2048xf32, #tpu.memory_space<hbm>>) target_semaphore(%run_scoped3A : memref<!tpu.dma_semaphore, #tpu.memory_space<semaphore_mem>>)
        %dma_wait3A_39 = arith.constant 0 : i32
        %dma_wait3A_40 = tpu.memref_slice %arg7[%add3A_28, %dma_wait3A_39] : memref<832x2048xf32, #tpu.memory_space<hbm>> -> memref<16x2048xf32, #tpu.memory_space<hbm>>
        %dma_wait3A_41 = arith.constant 0 : i32
        %dma_wait3A_42 = tpu.memref_slice %arg7[%add3A_28, %dma_wait3A_41] : memref<832x2048xf32, #tpu.memory_space<hbm>> -> memref<16x2048xf32, #tpu.memory_space<hbm>>
        tpu.wait_dma2 semaphore(%run_scoped3A : memref<!tpu.dma_semaphore, #tpu.memory_space<semaphore_mem>>) src(%arg12 : memref<16x2048xf32, #tpu.memory_space<vmem>>) dst(%dma_wait3A_42 : memref<16x2048xf32, #tpu.memory_space<hbm>>)
        tpu.yield
      }) : () -> ()
    } else {
    }
    return
  }
}

module attributes {stable_mosaic.version = 14 : i64} {
  func.func @_mlp_body(%arg0: i32, %arg1: memref<256x1024xf32, #tpu.memory_space<vmem>>, %arg2: memref<1024x2048xbf16, #tpu.memory_space<vmem>>, %arg3: memref<1x2048xf32, #tpu.memory_space<vmem>>, %arg4: memref<1x2048xf32, #tpu.memory_space<vmem>>, %arg5: memref<1x2048xf32, #tpu.memory_space<vmem>>, %arg6: memref<256x2048xf32, #tpu.memory_space<vmem>>) attributes {dimension_semantics = [#tpu.dimension_semantics<arbitrary>], iteration_bounds = array<i64: 8>, scalar_prefetch = 0 : i64, scratch_operands = 0 : i64, tpu.core_type = #tpu.core_type<tc>, window_params = [{transform_indices = @transform_0, window_bounds = array<i64: 256, 1024>}, {pipeline_mode = #tpu.pipeline_mode<synchronous>, transform_indices = @transform_1, window_bounds = array<i64: 1024, 2048>}, {pipeline_mode = #tpu.pipeline_mode<synchronous>, transform_indices = @transform_2, window_bounds = array<i64: 1, 2048>}, {pipeline_mode = #tpu.pipeline_mode<synchronous>, transform_indices = @transform_3, window_bounds = array<i64: 1, 2048>}, {pipeline_mode = #tpu.pipeline_mode<synchronous>, transform_indices = @transform_4, window_bounds = array<i64: 1, 2048>}, {transform_indices = @transform_5, window_bounds = array<i64: 256, 2048>}]} {
    %get3A = arith.constant 0 : index
    %get3A_0 = arith.constant 0 : index
    %get3A_1 = vector.load %arg1[%get3A, %get3A_0] : memref<256x1024xf32, #tpu.memory_space<vmem>>, vector<256x1024xf32>
    %convert_element_type3A = arith.truncf %get3A_1 : vector<256x1024xf32> to vector<256x1024xbf16>
    %get3A_2 = arith.constant 0 : index
    %get3A_3 = arith.constant 0 : index
    %get3A_4 = vector.load %arg2[%get3A_2, %get3A_3] : memref<1024x2048xbf16, #tpu.memory_space<vmem>>, vector<1024x2048xbf16>
    %dot_general3A = arith.constant dense<0.000000e+00> : vector<256x2048xf32>
    %dot_general3A_5 = tpu.matmul %convert_element_type3A, %get3A_4, %dot_general3A {dimension_numbers = #tpu.dot_dimension_numbers<[1], [0], [0], [1], [0, 0, 1, 1], [], []>, transpose_lhs_hint = false} : vector<256x1024xbf16>, vector<1024x2048xbf16>, vector<256x2048xf32> -> vector<256x2048xf32>
    %get3A_6 = arith.constant 0 : index
    %get3A_7 = arith.constant 0 : index
    %get3A_8 = vector.load %arg3[%get3A_6, %get3A_7] : memref<1x2048xf32, #tpu.memory_space<vmem>>, vector<1x2048xf32>
    %add3A = vector.broadcast %get3A_8 : vector<1x2048xf32> to vector<256x2048xf32>
    %add3A_9 = arith.addf %dot_general3A_5, %add3A : vector<256x2048xf32>
    %mul3A = arith.constant 5.000000e-01 : f32
    %mul3A_10 = vector.broadcast %mul3A : f32 to vector<256x2048xf32>
    %mul3A_11 = arith.mulf %mul3A_10, %add3A_9 : vector<256x2048xf32>
    %mul3A_12 = arith.constant 0.707106769 : f32
    %mul3A_13 = vector.broadcast %mul3A_12 : f32 to vector<256x2048xf32>
    %mul3A_14 = arith.mulf %add3A_9, %mul3A_13 : vector<256x2048xf32>
    %erf3A = math.erf %mul3A_14 : vector<256x2048xf32>
    %add3A_15 = arith.constant 1.000000e+00 : f32
    %add3A_16 = vector.broadcast %add3A_15 : f32 to vector<256x2048xf32>
    %add3A_17 = arith.addf %add3A_16, %erf3A : vector<256x2048xf32>
    %mul3A_18 = arith.mulf %mul3A_11, %add3A_17 : vector<256x2048xf32>
    %reduce_sum3A = arith.constant dense<0.000000e+00> : vector<256xf32>
    %reduce_sum3A_19 = vector.multi_reduction <add>, %mul3A_18, %reduce_sum3A [1] : vector<256x2048xf32> to vector<256xf32>
    %broadcast_in_dim3A = vector.shape_cast %reduce_sum3A_19 : vector<256xf32> to vector<256x1xf32>
    %div3A = arith.constant 2.048000e+03 : f32
    %div3A_20 = vector.broadcast %div3A : f32 to vector<256x1xf32>
    %div3A_21 = arith.divf %broadcast_in_dim3A, %div3A_20 : vector<256x1xf32>
    %sub3A = vector.broadcast %div3A_21 : vector<256x1xf32> to vector<256x2048xf32>
    %sub3A_22 = arith.subf %mul3A_18, %sub3A : vector<256x2048xf32>
    %mul3A_23 = arith.mulf %sub3A_22, %sub3A_22 : vector<256x2048xf32>
    %reduce_sum3A_24 = arith.constant dense<0.000000e+00> : vector<256xf32>
    %reduce_sum3A_25 = vector.multi_reduction <add>, %mul3A_23, %reduce_sum3A_24 [1] : vector<256x2048xf32> to vector<256xf32>
    %broadcast_in_dim3A_26 = vector.shape_cast %reduce_sum3A_25 : vector<256xf32> to vector<256x1xf32>
    %div3A_27 = arith.constant 2.048000e+03 : f32
    %div3A_28 = vector.broadcast %div3A_27 : f32 to vector<256x1xf32>
    %div3A_29 = arith.divf %broadcast_in_dim3A_26, %div3A_28 : vector<256x1xf32>
    %add3A_30 = arith.constant 9.99999974E-6 : f32
    %add3A_31 = vector.broadcast %add3A_30 : f32 to vector<256x1xf32>
    %add3A_32 = arith.addf %div3A_29, %add3A_31 : vector<256x1xf32>
    %rsqrt3A = math.rsqrt %add3A_32 : vector<256x1xf32>
    %mul3A_33 = vector.broadcast %rsqrt3A : vector<256x1xf32> to vector<256x2048xf32>
    %mul3A_34 = arith.mulf %sub3A_22, %mul3A_33 : vector<256x2048xf32>
    %get3A_35 = arith.constant 0 : index
    %get3A_36 = arith.constant 0 : index
    %get3A_37 = vector.load %arg4[%get3A_35, %get3A_36] : memref<1x2048xf32, #tpu.memory_space<vmem>>, vector<1x2048xf32>
    %mul3A_38 = vector.broadcast %get3A_37 : vector<1x2048xf32> to vector<256x2048xf32>
    %mul3A_39 = arith.mulf %mul3A_34, %mul3A_38 : vector<256x2048xf32>
    %get3A_40 = arith.constant 0 : index
    %get3A_41 = arith.constant 0 : index
    %get3A_42 = vector.load %arg5[%get3A_40, %get3A_41] : memref<1x2048xf32, #tpu.memory_space<vmem>>, vector<1x2048xf32>
    %add3A_43 = vector.broadcast %get3A_42 : vector<1x2048xf32> to vector<256x2048xf32>
    %add3A_44 = arith.addf %mul3A_39, %add3A_43 : vector<256x2048xf32>
    %swap3A = arith.constant 0 : index
    %swap3A_45 = arith.constant 0 : index
    %swap3A_46 = vector.load %arg6[%swap3A, %swap3A_45] : memref<256x2048xf32, #tpu.memory_space<vmem>>, vector<256x2048xf32>
    tpu.vector_store %arg6[%swap3A, %swap3A_45], %add3A_44 {strides = array<i32>} : memref<256x2048xf32, #tpu.memory_space<vmem>>, vector<256x2048xf32>,
    return
  }
  func.func @transform_0(%arg0: i32) -> (i32, i32) {
    %c0_i32 = arith.constant 0 : i32
    %c0_i32_0 = arith.constant 0 : i32
    return %arg0, %c0_i32 : i32, i32
  }
  func.func @transform_1(%arg0: i32) -> (i32, i32) {
    %c0_i32 = arith.constant 0 : i32
    %c0_i32_0 = arith.constant 0 : i32
    %c0_i32_1 = arith.constant 0 : i32
    return %c0_i32, %c0_i32_0 : i32, i32
  }
  func.func @transform_2(%arg0: i32) -> (i32, i32) {
    %c0_i32 = arith.constant 0 : i32
    %c0_i32_0 = arith.constant 0 : i32
    %c0_i32_1 = arith.constant 0 : i32
    return %c0_i32, %c0_i32_0 : i32, i32
  }
  func.func @transform_3(%arg0: i32) -> (i32, i32) {
    %c0_i32 = arith.constant 0 : i32
    %c0_i32_0 = arith.constant 0 : i32
    %c0_i32_1 = arith.constant 0 : i32
    return %c0_i32, %c0_i32_0 : i32, i32
  }
  func.func @transform_4(%arg0: i32) -> (i32, i32) {
    %c0_i32 = arith.constant 0 : i32
    %c0_i32_0 = arith.constant 0 : i32
    %c0_i32_1 = arith.constant 0 : i32
    return %c0_i32, %c0_i32_0 : i32, i32
  }
  func.func @transform_5(%arg0: i32) -> (i32, i32) {
    %c0_i32 = arith.constant 0 : i32
    %c0_i32_0 = arith.constant 0 : i32
    return %arg0, %c0_i32 : i32, i32
  }
}

module attributes {stable_mosaic.version = 14 : i64} {
  func.func @_band_body(%arg0: i32, %arg1: memref<256x2048xf32, #tpu.memory_space<vmem>>, %arg2: memref<256x2048xf32, #tpu.memory_space<vmem>>, %arg3: memref<256x2048xf32, #tpu.memory_space<vmem>>, %arg4: memref<2048x2048xbf16, #tpu.memory_space<vmem>>, %arg5: memref<1x2048xf32, #tpu.memory_space<vmem>>, %arg6: memref<2048x1xbf16, #tpu.memory_space<vmem>>, %arg7: memref<1x2048xbf16, #tpu.memory_space<vmem>>, %arg8: memref<256x32xf32, #tpu.memory_space<vmem>>) attributes {dimension_semantics = [#tpu.dimension_semantics<arbitrary>], iteration_bounds = array<i64: 8>, scalar_prefetch = 0 : i64, scratch_operands = 0 : i64, tpu.core_type = #tpu.core_type<tc>, window_params = [{transform_indices = @transform_0, window_bounds = array<i64: 256, 2048>}, {transform_indices = @transform_1, window_bounds = array<i64: 256, 2048>}, {transform_indices = @transform_2, window_bounds = array<i64: 256, 2048>}, {pipeline_mode = #tpu.pipeline_mode<synchronous>, transform_indices = @transform_3, window_bounds = array<i64: 2048, 2048>}, {pipeline_mode = #tpu.pipeline_mode<synchronous>, transform_indices = @transform_4, window_bounds = array<i64: 1, 2048>}, {pipeline_mode = #tpu.pipeline_mode<synchronous>, transform_indices = @transform_5, window_bounds = array<i64: 2048, 1>}, {pipeline_mode = #tpu.pipeline_mode<synchronous>, transform_indices = @transform_6, window_bounds = array<i64: 1, 2048>}, {transform_indices = @transform_7, window_bounds = array<i64: 256, 32>}]} {
    %get3A = arith.constant 0 : index
    %get3A_0 = arith.constant 0 : index
    %get3A_1 = vector.load %arg1[%get3A, %get3A_0] : memref<256x2048xf32, #tpu.memory_space<vmem>>, vector<256x2048xf32>
    %convert_element_type3A = arith.truncf %get3A_1 : vector<256x2048xf32> to vector<256x2048xbf16>
    %get3A_2 = arith.constant 0 : index
    %get3A_3 = arith.constant 0 : index
    %get3A_4 = vector.load %arg2[%get3A_2, %get3A_3] : memref<256x2048xf32, #tpu.memory_space<vmem>>, vector<256x2048xf32>
    %get3A_5 = arith.constant 0 : index
    %get3A_6 = arith.constant 0 : index
    %get3A_7 = vector.load %arg3[%get3A_5, %get3A_6] : memref<256x2048xf32, #tpu.memory_space<vmem>>, vector<32x2048xf32>
    %concatenate3A = tpu.concatenate %get3A_4, %get3A_7 in 0 : vector<256x2048xf32>, vector<32x2048xf32> -> vector<288x2048xf32>
    %convert_element_type3A_8 = arith.truncf %concatenate3A : vector<288x2048xf32> to vector<288x2048xbf16>
    %get3A_9 = arith.constant 0 : index
    %get3A_10 = arith.constant 0 : index
    %get3A_11 = vector.load %arg4[%get3A_9, %get3A_10] : memref<2048x2048xbf16, #tpu.memory_space<vmem>>, vector<2048x2048xbf16>
    %dot_general3A = arith.constant dense<0.000000e+00> : vector<256x2048xf32>
    %dot_general3A_12 = tpu.matmul %convert_element_type3A, %get3A_11, %dot_general3A {dimension_numbers = #tpu.dot_dimension_numbers<[1], [0], [0], [1], [0, 0, 1, 1], [], []>, transpose_lhs_hint = false} : vector<256x2048xbf16>, vector<2048x2048xbf16>, vector<256x2048xf32> -> vector<256x2048xf32>
    %get3A_13 = arith.constant 0 : index
    %get3A_14 = arith.constant 0 : index
    %get3A_15 = vector.load %arg5[%get3A_13, %get3A_14] : memref<1x2048xf32, #tpu.memory_space<vmem>>, vector<1x2048xf32>
    %add3A = vector.broadcast %get3A_15 : vector<1x2048xf32> to vector<256x2048xf32>
    %add3A_16 = arith.addf %dot_general3A_12, %add3A : vector<256x2048xf32>
    %get3A_17 = arith.constant 0 : index
    %get3A_18 = arith.constant 0 : index
    %get3A_19 = vector.load %arg6[%get3A_17, %get3A_18] : memref<2048x1xbf16, #tpu.memory_space<vmem>>, vector<2048x1xbf16>
    %dot_general3A_20 = arith.constant dense<0.000000e+00> : vector<256x1xf32>
    %dot_general3A_21 = tpu.matmul %convert_element_type3A, %get3A_19, %dot_general3A_20 {dimension_numbers = #tpu.dot_dimension_numbers<[1], [0], [0], [1], [0, 0, 1, 1], [], []>, transpose_lhs_hint = false} : vector<256x2048xbf16>, vector<2048x1xbf16>, vector<256x1xf32> -> vector<256x1xf32>
    %get3A_22 = arith.constant 0 : index
    %get3A_23 = arith.constant 0 : index
    %get3A_24 = vector.load %arg7[%get3A_22, %get3A_23] : memref<1x2048xbf16, #tpu.memory_space<vmem>>, vector<1x2048xbf16>
    %dot_general3A_25 = arith.constant dense<0.000000e+00> : vector<1x288xf32>
    %dot_general3A_26 = tpu.matmul %get3A_24, %convert_element_type3A_8, %dot_general3A_25 {dimension_numbers = #tpu.dot_dimension_numbers<[1], [1], [0], [0], [0, 0, 1, 0], [], []>, transpose_lhs_hint = false} : vector<1x2048xbf16>, vector<288x2048xbf16>, vector<1x288xf32> -> vector<1x288xf32>
    %convert_element_type3A_27 = arith.truncf %add3A_16 : vector<256x2048xf32> to vector<256x2048xbf16>
    %dot_general3A_28 = arith.constant dense<0.000000e+00> : vector<256x288xf32>
    %dot_general3A_29 = tpu.matmul %convert_element_type3A_27, %convert_element_type3A_8, %dot_general3A_28 {dimension_numbers = #tpu.dot_dimension_numbers<[1], [1], [0], [0], [0, 0, 1, 0], [], []>, transpose_lhs_hint = false} : vector<256x2048xbf16>, vector<288x2048xbf16>, vector<256x288xf32> -> vector<256x288xf32>
    %add3A_30 = vector.broadcast %dot_general3A_26 : vector<1x288xf32> to vector<256x288xf32>
    %add3A_31 = arith.addf %dot_general3A_29, %add3A_30 : vector<256x288xf32>
    %iota3A = tpu.iota {dimensions = array<i32: 1>} : vector<256x288xi32>
    %iota3A_32 = tpu.iota {dimensions = array<i32: 0>} : vector<256x288xi32>
    %iota3A_33 = tpu.iota {dimensions = array<i32: 1>} : vector<256x32xi32>
    %broadcast_in_dim3A = arith.constant 0.000000e+00 : f32
    %broadcast_in_dim3A_34 = vector.broadcast %broadcast_in_dim3A : f32 to vector<256x32xf32>
    %scan3A = arith.constant 0 : i32
    %scan3A_35 = arith.constant 32 : i32
    %scan3A_36 = arith.addi %scan3A, %scan3A_35 : i32
    %scan3A_37 = arith.constant 1 : i32
    %scan3A_38 = scf.for %scan3A_59 = %scan3A to %scan3A_36 step %scan3A_37 iter_args(%scan3A_60 = %broadcast_in_dim3A_34) -> (vector<256x32xf32>)  : i32 {
      %add3A_61 = vector.broadcast %scan3A_59 : i32 to vector<256x288xi32>
      %add3A_62 = arith.addi %iota3A_32, %add3A_61 : vector<256x288xi32>
      %eq3A = arith.cmpi eq, %iota3A, %add3A_62 : vector<256x288xi32>
      %jit3A_63 = arith.constant 0.000000e+00 : f32
      %broadcast_in_dim3A_64 = vector.broadcast %jit3A_63 : f32 to vector<256x288xf32>
      %select_n3A_65 = arith.select %eq3A, %add3A_31, %broadcast_in_dim3A_64 : vector<256x288xi1>, vector<256x288xf32>
      %reduce_sum3A = arith.constant dense<0.000000e+00> : vector<256xf32>
      %reduce_sum3A_66 = vector.multi_reduction <add>, %select_n3A_65, %reduce_sum3A [1] : vector<256x288xf32> to vector<256xf32>
      %broadcast_in_dim3A_67 = vector.shape_cast %reduce_sum3A_66 : vector<256xf32> to vector<256x1xf32>
      %eq3A_68 = vector.broadcast %scan3A_59 : i32 to vector<256x32xi32>
      %eq3A_69 = arith.cmpi eq, %iota3A_33, %eq3A_68 : vector<256x32xi32>
      %convert_element_type3A_70 = arith.extui %eq3A_69 : vector<256x32xi1> to vector<256x32xi32>
      %convert_element_type3A_71 = arith.sitofp %convert_element_type3A_70 : vector<256x32xi32> to vector<256x32xf32>
      %mul3A_72 = vector.broadcast %broadcast_in_dim3A_67 : vector<256x1xf32> to vector<256x32xf32>
      %mul3A_73 = arith.mulf %mul3A_72, %convert_element_type3A_71 : vector<256x32xf32>
      %add3A_74 = arith.addf %scan3A_60, %mul3A_73 : vector<256x32xf32>
      scf.yield %add3A_74 : vector<256x32xf32>
    }
    %scan3A_39 = arith.constant 32 : i32
    %add3A_40 = vector.broadcast %dot_general3A_21 : vector<256x1xf32> to vector<256x32xf32>
    %add3A_41 = arith.addf %scan3A_38, %add3A_40 : vector<256x32xf32>
    %mul3A = arith.constant 256 : i32
    %mul3A_42 = arith.muli %arg0, %mul3A : i32
    %iota3A_43 = tpu.iota {dimensions = array<i32: 0>} : vector<256x32xi32>
    %add3A_44 = vector.broadcast %mul3A_42 : i32 to vector<256x32xi32>
    %add3A_45 = arith.addi %add3A_44, %iota3A_43 : vector<256x32xi32>
    %lt3A = arith.constant 30 : i32
    %lt3A_46 = vector.broadcast %lt3A : i32 to vector<256x32xi32>
    %lt3A_47 = arith.cmpi slt, %iota3A_33, %lt3A_46 : vector<256x32xi32>
    %add3A_48 = arith.addi %add3A_45, %iota3A_33 : vector<256x32xi32>
    %lt3A_49 = arith.constant 2048 : i32
    %lt3A_50 = vector.broadcast %lt3A_49 : i32 to vector<256x32xi32>
    %lt3A_51 = arith.cmpi slt, %add3A_48, %lt3A_50 : vector<256x32xi32>
    %and3A = arith.andi %lt3A_47, %lt3A_51 : vector<256x32xi1>
    %jit3A = arith.constant -1.000000e+04 : f32
    %jit3A_52 = arith.constant 1.000000e+04 : f32
    %max3A = vector.broadcast %jit3A : f32 to vector<256x32xf32>
    %max3A_53 = arith.maximumf %max3A, %add3A_41 : vector<256x32xf32>
    %min3A = vector.broadcast %jit3A_52 : f32 to vector<256x32xf32>
    %min3A_54 = arith.minimumf %min3A, %max3A_53 : vector<256x32xf32>
    %jit3A_55 = arith.constant -1.000000e+09 : f32
    %broadcast_in_dim3A_56 = vector.broadcast %jit3A_55 : f32 to vector<256x32xf32>
    %select_n3A = arith.select %and3A, %min3A_54, %broadcast_in_dim3A_56 : vector<256x32xi1>, vector<256x32xf32>
    %swap3A = arith.constant 0 : index
    %swap3A_57 = arith.constant 0 : index
    %swap3A_58 = vector.load %arg8[%swap3A, %swap3A_57] : memref<256x32xf32, #tpu.memory_space<vmem>>, vector<256x32xf32>
    tpu.vector_store %arg8[%swap3A, %swap3A_57], %select_n3A {strides = array<i32>} : memref<256x32xf32, #tpu.memory_space<vmem>>, vector<256x32xf32>,
    return
  }
  func.func @transform_0(%arg0: i32) -> (i32, i32) {
    %c0_i32 = arith.constant 0 : i32
    %c0_i32_0 = arith.constant 0 : i32
    return %arg0, %c0_i32 : i32, i32
  }
  func.func @transform_1(%arg0: i32) -> (i32, i32) {
    %c0_i32 = arith.constant 0 : i32
    %c0_i32_0 = arith.constant 0 : i32
    return %arg0, %c0_i32 : i32, i32
  }
  func.func @transform_2(%arg0: i32) -> (i32, i32) {
    %add3A = arith.constant 1 : i32
    %add3A_0 = arith.addi %arg0, %add3A : i32
    %min3A = arith.constant 7 : i32
    %min3A_1 = arith.minsi %add3A_0, %min3A : i32
    %c0_i32 = arith.constant 0 : i32
    %c0_i32_2 = arith.constant 0 : i32
    return %min3A_1, %c0_i32 : i32, i32
  }
  func.func @transform_3(%arg0: i32) -> (i32, i32) {
    %c0_i32 = arith.constant 0 : i32
    %c0_i32_0 = arith.constant 0 : i32
    %c0_i32_1 = arith.constant 0 : i32
    return %c0_i32, %c0_i32_0 : i32, i32
  }
  func.func @transform_4(%arg0: i32) -> (i32, i32) {
    %c0_i32 = arith.constant 0 : i32
    %c0_i32_0 = arith.constant 0 : i32
    %c0_i32_1 = arith.constant 0 : i32
    return %c0_i32, %c0_i32_0 : i32, i32
  }
  func.func @transform_5(%arg0: i32) -> (i32, i32) {
    %c0_i32 = arith.constant 0 : i32
    %c0_i32_0 = arith.constant 0 : i32
    %c0_i32_1 = arith.constant 0 : i32
    return %c0_i32, %c0_i32_0 : i32, i32
  }
  func.func @transform_6(%arg0: i32) -> (i32, i32) {
    %c0_i32 = arith.constant 0 : i32
    %c0_i32_0 = arith.constant 0 : i32
    %c0_i32_1 = arith.constant 0 : i32
    return %c0_i32, %c0_i32_0 : i32, i32
  }
  func.func @transform_7(%arg0: i32) -> (i32, i32) {
    %c0_i32 = arith.constant 0 : i32
    %c0_i32_0 = arith.constant 0 : i32
    return %arg0, %c0_i32 : i32, i32
  }
}

module attributes {stable_mosaic.version = 14 : i64} {
  func.func @_select_body(%arg0: memref<2048x32xf32, #tpu.memory_space<vmem>>, %arg1: memref<832x2xf32, #tpu.memory_space<vmem>>) attributes {dimension_semantics = [], scalar_prefetch = 0 : i64, scratch_operands = 0 : i64, tpu.core_type = #tpu.core_type<tc>} {
    %get3A = arith.constant 0 : index
    %get3A_0 = arith.constant 0 : index
    %get3A_1 = vector.load %arg0[%get3A, %get3A_0] : memref<2048x32xf32, #tpu.memory_space<vmem>>, vector<2048x32xf32>
    %gt3A = arith.constant -1.000000e+08 : f32
    %gt3A_2 = vector.broadcast %gt3A : f32 to vector<2048x32xf32>
    %gt3A_3 = arith.cmpf ogt, %get3A_1, %gt3A_2 : vector<2048x32xf32>
    %jit3A = arith.constant 1.000000e+30 : f32
    %broadcast_in_dim3A = vector.broadcast %jit3A : f32 to vector<2048x32xf32>
    %select_n3A = arith.select %gt3A_3, %get3A_1, %broadcast_in_dim3A : vector<2048x32xi1>, vector<2048x32xf32>
    %reduce_min3A = vector.shape_cast %select_n3A : vector<2048x32xf32> to vector<1x2048x32xf32>
    %reduce_min3A_4 = arith.constant dense<0x7F800000> : vector<1xf32>
    %reduce_min3A_5 = vector.multi_reduction <minimumf>, %reduce_min3A, %reduce_min3A_4 [1, 2] : vector<1x2048x32xf32> to vector<1xf32>
    %reduce_min3A_6 = vector.shape_cast %reduce_min3A_5 : vector<1xf32> to vector<1x1x1xf32>
    %reduce_min3A_7 = vector.extract %reduce_min3A_6[0, 0, 0] : f32 from vector<1x1x1xf32>
    %reduce_max3A = vector.shape_cast %get3A_1 : vector<2048x32xf32> to vector<1x2048x32xf32>
    %reduce_max3A_8 = arith.constant dense<0xFF800000> : vector<1xf32>
    %reduce_max3A_9 = vector.multi_reduction <maximumf>, %reduce_max3A, %reduce_max3A_8 [1, 2] : vector<1x2048x32xf32> to vector<1xf32>
    %reduce_max3A_10 = vector.shape_cast %reduce_max3A_9 : vector<1xf32> to vector<1x1x1xf32>
    %reduce_max3A_11 = vector.extract %reduce_max3A_10[0, 0, 0] : f32 from vector<1x1x1xf32>
    %sub3A = arith.constant 1.000000e+00 : f32
    %sub3A_12 = arith.subf %reduce_min3A_7, %sub3A : f32
    %scan3A = arith.constant 0 : i32
    %scan3A_13 = arith.constant 46 : i32
    %scan3A_14 = arith.addi %scan3A, %scan3A_13 : i32
    %scan3A_15 = arith.constant 1 : i32
    %scan3A_16:2 = scf.for %scan3A_238 = %scan3A to %scan3A_14 step %scan3A_15 iter_args(%scan3A_239 = %sub3A_12, %scan3A_240 = %reduce_max3A_11) -> (f32, f32)  : i32 {
      %add3A_241 = arith.addf %scan3A_239, %scan3A_240 : f32
      %mul3A_242 = arith.constant 5.000000e-01 : f32
      %mul3A_243 = arith.mulf %mul3A_242, %add3A_241 : f32
      %gt3A_244 = vector.broadcast %mul3A_243 : f32 to vector<2048x32xf32>
      %gt3A_245 = arith.cmpf ogt, %get3A_1, %gt3A_244 : vector<2048x32xf32>
      %convert_element_type3A_246 = arith.extui %gt3A_245 : vector<2048x32xi1> to vector<2048x32xi32>
      %convert_element_type3A_247 = arith.sitofp %convert_element_type3A_246 : vector<2048x32xi32> to vector<2048x32xf32>
      %reduce_sum3A_248 = vector.shape_cast %convert_element_type3A_247 : vector<2048x32xf32> to vector<1x2048x32xf32>
      %reduce_sum3A_249 = arith.constant dense<0.000000e+00> : vector<1xf32>
      %reduce_sum3A_250 = vector.multi_reduction <add>, %reduce_sum3A_248, %reduce_sum3A_249 [1, 2] : vector<1x2048x32xf32> to vector<1xf32>
      %reduce_sum3A_251 = vector.shape_cast %reduce_sum3A_250 : vector<1xf32> to vector<1x1x1xf32>
      %reduce_sum3A_252 = vector.extract %reduce_sum3A_251[0, 0, 0] : f32 from vector<1x1x1xf32>
      %ge3A = arith.constant 8.190000e+02 : f32
      %ge3A_253 = arith.cmpf oge, %reduce_sum3A_252, %ge3A : f32
      %select_n3A_254 = arith.select %ge3A_253, %mul3A_243, %scan3A_239 : f32
      %select_n3A_255 = arith.select %ge3A_253, %scan3A_240, %mul3A_243 : f32
      scf.yield %select_n3A_254, %select_n3A_255 : f32, f32
    }
    %gt3A_17 = vector.broadcast %scan3A_16#1 : f32 to vector<2048x32xf32>
    %gt3A_18 = arith.cmpf ogt, %get3A_1, %gt3A_17 : vector<2048x32xf32>
    %gt3A_19 = vector.broadcast %scan3A_16#0 : f32 to vector<2048x32xf32>
    %gt3A_20 = arith.cmpf ogt, %get3A_1, %gt3A_19 : vector<2048x32xf32>
    %not3A = arith.constant dense<true> : vector<2048x32xi1>
    %not3A_21 = arith.xori %gt3A_18, %not3A : vector<2048x32xi1>
    %and3A = arith.andi %gt3A_20, %not3A_21 : vector<2048x32xi1>
    %convert_element_type3A = arith.extui %gt3A_18 : vector<2048x32xi1> to vector<2048x32xi32>
    %convert_element_type3A_22 = arith.sitofp %convert_element_type3A : vector<2048x32xi32> to vector<2048x32xf32>
    %reduce_sum3A = vector.shape_cast %convert_element_type3A_22 : vector<2048x32xf32> to vector<1x2048x32xf32>
    %reduce_sum3A_23 = arith.constant dense<0.000000e+00> : vector<1xf32>
    %reduce_sum3A_24 = vector.multi_reduction <add>, %reduce_sum3A, %reduce_sum3A_23 [1, 2] : vector<1x2048x32xf32> to vector<1xf32>
    %reduce_sum3A_25 = vector.shape_cast %reduce_sum3A_24 : vector<1xf32> to vector<1x1x1xf32>
    %reduce_sum3A_26 = vector.extract %reduce_sum3A_25[0, 0, 0] : f32 from vector<1x1x1xf32>
    %sub3A_27 = arith.constant 8.190000e+02 : f32
    %sub3A_28 = arith.subf %sub3A_27, %reduce_sum3A_26 : f32
    %iota3A = tpu.iota {dimensions = array<i32: 0>} : vector<32x32xi32>
    %iota3A_29 = tpu.iota {dimensions = array<i32: 1>} : vector<32x32xi32>
    %lt3A = arith.cmpi slt, %iota3A, %iota3A_29 : vector<32x32xi32>
    %convert_element_type3A_30 = arith.extui %lt3A : vector<32x32xi1> to vector<32x32xi32>
    %convert_element_type3A_31 = arith.sitofp %convert_element_type3A_30 : vector<32x32xi32> to vector<32x32xf32>
    %broadcast_in_dim3A_32 = arith.constant 1.000000e+00 : f32
    %broadcast_in_dim3A_33 = vector.broadcast %broadcast_in_dim3A_32 : f32 to vector<32x1xf32>
    %iota3A_34 = tpu.iota {dimensions = array<i32: 0>} : vector<2048x2048xi32>
    %iota3A_35 = tpu.iota {dimensions = array<i32: 1>} : vector<2048x2048xi32>
    %lt3A_36 = arith.cmpi slt, %iota3A_35, %iota3A_34 : vector<2048x2048xi32>
    %convert_element_type3A_37 = arith.extui %lt3A_36 : vector<2048x2048xi1> to vector<2048x2048xi32>
    %convert_element_type3A_38 = arith.sitofp %convert_element_type3A_37 : vector<2048x2048xi32> to vector<2048x2048xf32>
    %convert_element_type3A_39 = arith.extui %and3A : vector<2048x32xi1> to vector<2048x32xi32>
    %convert_element_type3A_40 = arith.sitofp %convert_element_type3A_39 : vector<2048x32xi32> to vector<2048x32xf32>
    %dot_general3A = arith.constant dense<0.000000e+00> : vector<2048x32xf32>
    %dot_general3A_41 = tpu.matmul %convert_element_type3A_40, %convert_element_type3A_31, %dot_general3A {dimension_numbers = #tpu.dot_dimension_numbers<[1], [0], [0], [1], [0, 0, 1, 1], [], []>, transpose_lhs_hint = false} : vector<2048x32xf32>, vector<32x32xf32>, vector<2048x32xf32> -> vector<2048x32xf32>
    %dot_general3A_42 = arith.constant dense<0.000000e+00> : vector<2048x1xf32>
    %dot_general3A_43 = tpu.matmul %convert_element_type3A_40, %broadcast_in_dim3A_33, %dot_general3A_42 {dimension_numbers = #tpu.dot_dimension_numbers<[1], [0], [0], [1], [0, 0, 1, 1], [], []>, transpose_lhs_hint = false} : vector<2048x32xf32>, vector<32x1xf32>, vector<2048x1xf32> -> vector<2048x1xf32>
    %dot_general3A_44 = arith.constant dense<0.000000e+00> : vector<2048x1xf32>
    %dot_general3A_45 = tpu.matmul %convert_element_type3A_38, %dot_general3A_43, %dot_general3A_44 {dimension_numbers = #tpu.dot_dimension_numbers<[1], [0], [0], [1], [0, 0, 1, 1], [], []>, transpose_lhs_hint = false} : vector<2048x2048xf32>, vector<2048x1xf32>, vector<2048x1xf32> -> vector<2048x1xf32>
    %sub3A_46 = vector.broadcast %sub3A_28 : f32 to vector<2048x1xf32>
    %sub3A_47 = arith.subf %sub3A_46, %dot_general3A_45 : vector<2048x1xf32>
    %lt3A_48 = vector.broadcast %sub3A_47 : vector<2048x1xf32> to vector<2048x32xf32>
    %lt3A_49 = arith.cmpf olt, %dot_general3A_41, %lt3A_48 : vector<2048x32xf32>
    %and3A_50 = arith.andi %and3A, %lt3A_49 : vector<2048x32xi1>
    %or3A = arith.ori %gt3A_18, %and3A_50 : vector<2048x32xi1>
    %convert_element_type3A_51 = arith.extui %or3A : vector<2048x32xi1> to vector<2048x32xi32>
    %convert_element_type3A_52 = arith.sitofp %convert_element_type3A_51 : vector<2048x32xi32> to vector<2048x32xf32>
    %dot_general3A_53 = arith.constant dense<0.000000e+00> : vector<2048x32xf32>
    %dot_general3A_54 = tpu.matmul %convert_element_type3A_52, %convert_element_type3A_31, %dot_general3A_53 {dimension_numbers = #tpu.dot_dimension_numbers<[1], [0], [0], [1], [0, 0, 1, 1], [], []>, transpose_lhs_hint = false} : vector<2048x32xf32>, vector<32x32xf32>, vector<2048x32xf32> -> vector<2048x32xf32>
    %broadcast_in_dim3A_55 = arith.constant 1.000000e+00 : f32
    %broadcast_in_dim3A_56 = vector.broadcast %broadcast_in_dim3A_55 : f32 to vector<1x32xf32>
    %dot_general3A_57 = arith.constant dense<0.000000e+00> : vector<1x2048xf32>
    %dot_general3A_58 = tpu.matmul %broadcast_in_dim3A_56, %convert_element_type3A_52, %dot_general3A_57 {dimension_numbers = #tpu.dot_dimension_numbers<[1], [1], [0], [0], [0, 0, 1, 0], [], []>, transpose_lhs_hint = false} : vector<1x32xf32>, vector<2048x32xf32>, vector<1x2048xf32> -> vector<1x2048xf32>
    %dot_general3A_59 = arith.constant dense<0.000000e+00> : vector<1x2048xf32>
    %dot_general3A_60 = tpu.matmul %dot_general3A_58, %convert_element_type3A_38, %dot_general3A_59 {dimension_numbers = #tpu.dot_dimension_numbers<[1], [1], [0], [0], [0, 0, 1, 0], [], []>, transpose_lhs_hint = false} : vector<1x2048xf32>, vector<2048x2048xf32>, vector<1x2048xf32> -> vector<1x2048xf32>
    %iota3A_61 = tpu.iota {dimensions = array<i32: 0>} : vector<2048x32xi32>
    %iota3A_62 = tpu.iota {dimensions = array<i32: 1>} : vector<2048x32xi32>
    %mul3A = arith.constant 32 : i32
    %mul3A_63 = vector.broadcast %mul3A : i32 to vector<2048x32xi32>
    %mul3A_64 = arith.muli %iota3A_61, %mul3A_63 : vector<2048x32xi32>
    %add3A = arith.addi %mul3A_64, %iota3A_62 : vector<2048x32xi32>
    %convert_element_type3A_65 = arith.sitofp %add3A : vector<2048x32xi32> to vector<2048x32xf32>
    %iota3A_66 = tpu.iota {dimensions = array<i32: 0>} : vector<832x2048xi32>
    %convert_element_type3A_67 = arith.sitofp %iota3A_66 : vector<832x2048xi32> to vector<832x2048xf32>
    %iota3A_68 = tpu.iota {dimensions = array<i32: 1>} : vector<2048x64xi32>
    %broadcast_in_dim3A_69 = arith.constant 0.000000e+00 : f32
    %broadcast_in_dim3A_70 = vector.broadcast %broadcast_in_dim3A_69 : f32 to vector<2048x64xf32>
    %scan3A_71 = arith.constant 0 : i32
    %scan3A_72 = arith.constant 32 : i32
    %scan3A_73 = arith.addi %scan3A_71, %scan3A_72 : i32
    %scan3A_74 = arith.constant 1 : i32
    %scan3A_75 = scf.for %scan3A_238 = %scan3A_71 to %scan3A_73 step %scan3A_74 iter_args(%scan3A_239 = %broadcast_in_dim3A_70) -> (vector<2048x64xf32>)  : i32 {
      %convert_element_type3A_240 = arith.sitofp %scan3A_238 : i32 to f32
      %eq3A_241 = vector.broadcast %convert_element_type3A_240 : f32 to vector<2048x32xf32>
      %eq3A_242 = arith.cmpf oeq, %dot_general3A_54, %eq3A_241 : vector<2048x32xf32>
      %and3A_243 = arith.andi %or3A, %eq3A_242 : vector<2048x32xi1>
      %convert_element_type3A_244 = arith.extui %and3A_243 : vector<2048x32xi1> to vector<2048x32xi32>
      %convert_element_type3A_245 = arith.sitofp %convert_element_type3A_244 : vector<2048x32xi32> to vector<2048x32xf32>
      %mul3A_246 = arith.mulf %convert_element_type3A_245, %convert_element_type3A_65 : vector<2048x32xf32>
      %reduce_sum3A_247 = arith.constant dense<0.000000e+00> : vector<2048xf32>
      %reduce_sum3A_248 = vector.multi_reduction <add>, %mul3A_246, %reduce_sum3A_247 [1] : vector<2048x32xf32> to vector<2048xf32>
      %broadcast_in_dim3A_249 = vector.shape_cast %reduce_sum3A_248 : vector<2048xf32> to vector<2048x1xf32>
      %mul3A_250 = arith.mulf %convert_element_type3A_245, %get3A_1 : vector<2048x32xf32>
      %reduce_sum3A_251 = arith.constant dense<0.000000e+00> : vector<2048xf32>
      %reduce_sum3A_252 = vector.multi_reduction <add>, %mul3A_250, %reduce_sum3A_251 [1] : vector<2048x32xf32> to vector<2048xf32>
      %broadcast_in_dim3A_253 = vector.shape_cast %reduce_sum3A_252 : vector<2048xf32> to vector<2048x1xf32>
      %mul3A_254 = arith.constant 2 : i32
      %mul3A_255 = arith.muli %mul3A_254, %scan3A_238 : i32
      %eq3A_256 = vector.broadcast %mul3A_255 : i32 to vector<2048x64xi32>
      %eq3A_257 = arith.cmpi eq, %iota3A_68, %eq3A_256 : vector<2048x64xi32>
      %convert_element_type3A_258 = arith.extui %eq3A_257 : vector<2048x64xi1> to vector<2048x64xi32>
      %convert_element_type3A_259 = arith.sitofp %convert_element_type3A_258 : vector<2048x64xi32> to vector<2048x64xf32>
      %mul3A_260 = vector.broadcast %broadcast_in_dim3A_249 : vector<2048x1xf32> to vector<2048x64xf32>
      %mul3A_261 = arith.mulf %mul3A_260, %convert_element_type3A_259 : vector<2048x64xf32>
      %add3A_262 = arith.addf %scan3A_239, %mul3A_261 : vector<2048x64xf32>
      %mul3A_263 = arith.constant 2 : i32
      %mul3A_264 = arith.muli %mul3A_263, %scan3A_238 : i32
      %add3A_265 = arith.constant 1 : i32
      %add3A_266 = arith.addi %mul3A_264, %add3A_265 : i32
      %eq3A_267 = vector.broadcast %add3A_266 : i32 to vector<2048x64xi32>
      %eq3A_268 = arith.cmpi eq, %iota3A_68, %eq3A_267 : vector<2048x64xi32>
      %convert_element_type3A_269 = arith.extui %eq3A_268 : vector<2048x64xi1> to vector<2048x64xi32>
      %convert_element_type3A_270 = arith.sitofp %convert_element_type3A_269 : vector<2048x64xi32> to vector<2048x64xf32>
      %mul3A_271 = vector.broadcast %broadcast_in_dim3A_253 : vector<2048x1xf32> to vector<2048x64xf32>
      %mul3A_272 = arith.mulf %mul3A_271, %convert_element_type3A_270 : vector<2048x64xf32>
      %add3A_273 = arith.addf %add3A_262, %mul3A_272 : vector<2048x64xf32>
      scf.yield %add3A_273 : vector<2048x64xf32>
    }
    %scan3A_76 = arith.constant 32 : i32
    %eq3A = vector.broadcast %dot_general3A_60 : vector<1x2048xf32> to vector<832x2048xf32>
    %eq3A_77 = arith.cmpf oeq, %convert_element_type3A_67, %eq3A : vector<832x2048xf32>
    %convert_element_type3A_78 = arith.extui %eq3A_77 : vector<832x2048xi1> to vector<832x2048xi32>
    %convert_element_type3A_79 = arith.sitofp %convert_element_type3A_78 : vector<832x2048xi32> to vector<832x2048xf32>
    %dot_general3A_80 = arith.constant dense<0.000000e+00> : vector<832x64xf32>
    %dot_general3A_81 = tpu.matmul %convert_element_type3A_79, %scan3A_75, %dot_general3A_80 {dimension_numbers = #tpu.dot_dimension_numbers<[1], [0], [0], [1], [0, 0, 1, 1], [], []>, precision = #tpu.contract_precision<fp32>, transpose_lhs_hint = false} : vector<832x2048xf32>, vector<2048x64xf32>, vector<832x64xf32> -> vector<832x64xf32>
    %slice3A = vector.extract_strided_slice %dot_general3A_81 {offsets = [0, 0], sizes = [832, 2], strides = [1, 1]} : vector<832x64xf32> to vector<832x2xf32>
    %broadcast_in_dim3A_82 = arith.constant 0.000000e+00 : f32
    %broadcast_in_dim3A_83 = vector.broadcast %broadcast_in_dim3A_82 : f32 to vector<1x2xf32>
    %slice3A_84 = vector.extract_strided_slice %dot_general3A_81 {offsets = [0, 2], sizes = [831, 2], strides = [1, 1]} : vector<832x64xf32> to vector<831x2xf32>
    %concatenate3A = tpu.concatenate %broadcast_in_dim3A_83, %slice3A_84 in 0 : vector<1x2xf32>, vector<831x2xf32> -> vector<832x2xf32>
    %add3A_85 = arith.addf %slice3A, %concatenate3A : vector<832x2xf32>
    %broadcast_in_dim3A_86 = arith.constant 0.000000e+00 : f32
    %broadcast_in_dim3A_87 = vector.broadcast %broadcast_in_dim3A_86 : f32 to vector<2x2xf32>
    %slice3A_88 = vector.extract_strided_slice %dot_general3A_81 {offsets = [0, 4], sizes = [830, 2], strides = [1, 1]} : vector<832x64xf32> to vector<830x2xf32>
    %concatenate3A_89 = tpu.concatenate %broadcast_in_dim3A_87, %slice3A_88 in 0 : vector<2x2xf32>, vector<830x2xf32> -> vector<832x2xf32>
    %add3A_90 = arith.addf %add3A_85, %concatenate3A_89 : vector<832x2xf32>
    %broadcast_in_dim3A_91 = arith.constant 0.000000e+00 : f32
    %broadcast_in_dim3A_92 = vector.broadcast %broadcast_in_dim3A_91 : f32 to vector<3x2xf32>
    %slice3A_93 = vector.extract_strided_slice %dot_general3A_81 {offsets = [0, 6], sizes = [829, 2], strides = [1, 1]} : vector<832x64xf32> to vector<829x2xf32>
    %concatenate3A_94 = tpu.concatenate %broadcast_in_dim3A_92, %slice3A_93 in 0 : vector<3x2xf32>, vector<829x2xf32> -> vector<832x2xf32>
    %add3A_95 = arith.addf %add3A_90, %concatenate3A_94 : vector<832x2xf32>
    %broadcast_in_dim3A_96 = arith.constant 0.000000e+00 : f32
    %broadcast_in_dim3A_97 = vector.broadcast %broadcast_in_dim3A_96 : f32 to vector<4x2xf32>
    %slice3A_98 = vector.extract_strided_slice %dot_general3A_81 {offsets = [0, 8], sizes = [828, 2], strides = [1, 1]} : vector<832x64xf32> to vector<828x2xf32>
    %concatenate3A_99 = tpu.concatenate %broadcast_in_dim3A_97, %slice3A_98 in 0 : vector<4x2xf32>, vector<828x2xf32> -> vector<832x2xf32>
    %add3A_100 = arith.addf %add3A_95, %concatenate3A_99 : vector<832x2xf32>
    %broadcast_in_dim3A_101 = arith.constant 0.000000e+00 : f32
    %broadcast_in_dim3A_102 = vector.broadcast %broadcast_in_dim3A_101 : f32 to vector<5x2xf32>
    %slice3A_103 = vector.extract_strided_slice %dot_general3A_81 {offsets = [0, 10], sizes = [827, 2], strides = [1, 1]} : vector<832x64xf32> to vector<827x2xf32>
    %concatenate3A_104 = tpu.concatenate %broadcast_in_dim3A_102, %slice3A_103 in 0 : vector<5x2xf32>, vector<827x2xf32> -> vector<832x2xf32>
    %add3A_105 = arith.addf %add3A_100, %concatenate3A_104 : vector<832x2xf32>
    %broadcast_in_dim3A_106 = arith.constant 0.000000e+00 : f32
    %broadcast_in_dim3A_107 = vector.broadcast %broadcast_in_dim3A_106 : f32 to vector<6x2xf32>
    %slice3A_108 = vector.extract_strided_slice %dot_general3A_81 {offsets = [0, 12], sizes = [826, 2], strides = [1, 1]} : vector<832x64xf32> to vector<826x2xf32>
    %concatenate3A_109 = tpu.concatenate %broadcast_in_dim3A_107, %slice3A_108 in 0 : vector<6x2xf32>, vector<826x2xf32> -> vector<832x2xf32>
    %add3A_110 = arith.addf %add3A_105, %concatenate3A_109 : vector<832x2xf32>
    %broadcast_in_dim3A_111 = arith.constant 0.000000e+00 : f32
    %broadcast_in_dim3A_112 = vector.broadcast %broadcast_in_dim3A_111 : f32 to vector<7x2xf32>
    %slice3A_113 = vector.extract_strided_slice %dot_general3A_81 {offsets = [0, 14], sizes = [825, 2], strides = [1, 1]} : vector<832x64xf32> to vector<825x2xf32>
    %concatenate3A_114 = tpu.concatenate %broadcast_in_dim3A_112, %slice3A_113 in 0 : vector<7x2xf32>, vector<825x2xf32> -> vector<832x2xf32>
    %add3A_115 = arith.addf %add3A_110, %concatenate3A_114 : vector<832x2xf32>
    %broadcast_in_dim3A_116 = arith.constant 0.000000e+00 : f32
    %broadcast_in_dim3A_117 = vector.broadcast %broadcast_in_dim3A_116 : f32 to vector<8x2xf32>
    %slice3A_118 = vector.extract_strided_slice %dot_general3A_81 {offsets = [0, 16], sizes = [824, 2], strides = [1, 1]} : vector<832x64xf32> to vector<824x2xf32>
    %concatenate3A_119 = tpu.concatenate %broadcast_in_dim3A_117, %slice3A_118 in 0 : vector<8x2xf32>, vector<824x2xf32> -> vector<832x2xf32>
    %add3A_120 = arith.addf %add3A_115, %concatenate3A_119 : vector<832x2xf32>
    %broadcast_in_dim3A_121 = arith.constant 0.000000e+00 : f32
    %broadcast_in_dim3A_122 = vector.broadcast %broadcast_in_dim3A_121 : f32 to vector<9x2xf32>
    %slice3A_123 = vector.extract_strided_slice %dot_general3A_81 {offsets = [0, 18], sizes = [823, 2], strides = [1, 1]} : vector<832x64xf32> to vector<823x2xf32>
    %concatenate3A_124 = tpu.concatenate %broadcast_in_dim3A_122, %slice3A_123 in 0 : vector<9x2xf32>, vector<823x2xf32> -> vector<832x2xf32>
    %add3A_125 = arith.addf %add3A_120, %concatenate3A_124 : vector<832x2xf32>
    %broadcast_in_dim3A_126 = arith.constant 0.000000e+00 : f32
    %broadcast_in_dim3A_127 = vector.broadcast %broadcast_in_dim3A_126 : f32 to vector<10x2xf32>
    %slice3A_128 = vector.extract_strided_slice %dot_general3A_81 {offsets = [0, 20], sizes = [822, 2], strides = [1, 1]} : vector<832x64xf32> to vector<822x2xf32>
    %concatenate3A_129 = tpu.concatenate %broadcast_in_dim3A_127, %slice3A_128 in 0 : vector<10x2xf32>, vector<822x2xf32> -> vector<832x2xf32>
    %add3A_130 = arith.addf %add3A_125, %concatenate3A_129 : vector<832x2xf32>
    %broadcast_in_dim3A_131 = arith.constant 0.000000e+00 : f32
    %broadcast_in_dim3A_132 = vector.broadcast %broadcast_in_dim3A_131 : f32 to vector<11x2xf32>
    %slice3A_133 = vector.extract_strided_slice %dot_general3A_81 {offsets = [0, 22], sizes = [821, 2], strides = [1, 1]} : vector<832x64xf32> to vector<821x2xf32>
    %concatenate3A_134 = tpu.concatenate %broadcast_in_dim3A_132, %slice3A_133 in 0 : vector<11x2xf32>, vector<821x2xf32> -> vector<832x2xf32>
    %add3A_135 = arith.addf %add3A_130, %concatenate3A_134 : vector<832x2xf32>
    %broadcast_in_dim3A_136 = arith.constant 0.000000e+00 : f32
    %broadcast_in_dim3A_137 = vector.broadcast %broadcast_in_dim3A_136 : f32 to vector<12x2xf32>
    %slice3A_138 = vector.extract_strided_slice %dot_general3A_81 {offsets = [0, 24], sizes = [820, 2], strides = [1, 1]} : vector<832x64xf32> to vector<820x2xf32>
    %concatenate3A_139 = tpu.concatenate %broadcast_in_dim3A_137, %slice3A_138 in 0 : vector<12x2xf32>, vector<820x2xf32> -> vector<832x2xf32>
    %add3A_140 = arith.addf %add3A_135, %concatenate3A_139 : vector<832x2xf32>
    %broadcast_in_dim3A_141 = arith.constant 0.000000e+00 : f32
    %broadcast_in_dim3A_142 = vector.broadcast %broadcast_in_dim3A_141 : f32 to vector<13x2xf32>
    %slice3A_143 = vector.extract_strided_slice %dot_general3A_81 {offsets = [0, 26], sizes = [819, 2], strides = [1, 1]} : vector<832x64xf32> to vector<819x2xf32>
    %concatenate3A_144 = tpu.concatenate %broadcast_in_dim3A_142, %slice3A_143 in 0 : vector<13x2xf32>, vector<819x2xf32> -> vector<832x2xf32>
    %add3A_145 = arith.addf %add3A_140, %concatenate3A_144 : vector<832x2xf32>
    %broadcast_in_dim3A_146 = arith.constant 0.000000e+00 : f32
    %broadcast_in_dim3A_147 = vector.broadcast %broadcast_in_dim3A_146 : f32 to vector<14x2xf32>
    %slice3A_148 = vector.extract_strided_slice %dot_general3A_81 {offsets = [0, 28], sizes = [818, 2], strides = [1, 1]} : vector<832x64xf32> to vector<818x2xf32>
    %concatenate3A_149 = tpu.concatenate %broadcast_in_dim3A_147, %slice3A_148 in 0 : vector<14x2xf32>, vector<818x2xf32> -> vector<832x2xf32>
    %add3A_150 = arith.addf %add3A_145, %concatenate3A_149 : vector<832x2xf32>
    %broadcast_in_dim3A_151 = arith.constant 0.000000e+00 : f32
    %broadcast_in_dim3A_152 = vector.broadcast %broadcast_in_dim3A_151 : f32 to vector<15x2xf32>
    %slice3A_153 = vector.extract_strided_slice %dot_general3A_81 {offsets = [0, 30], sizes = [817, 2], strides = [1, 1]} : vector<832x64xf32> to vector<817x2xf32>
    %concatenate3A_154 = tpu.concatenate %broadcast_in_dim3A_152, %slice3A_153 in 0 : vector<15x2xf32>, vector<817x2xf32> -> vector<832x2xf32>
    %add3A_155 = arith.addf %add3A_150, %concatenate3A_154 : vector<832x2xf32>
    %broadcast_in_dim3A_156 = arith.constant 0.000000e+00 : f32
    %broadcast_in_dim3A_157 = vector.broadcast %broadcast_in_dim3A_156 : f32 to vector<16x2xf32>
    %slice3A_158 = vector.extract_strided_slice %dot_general3A_81 {offsets = [0, 32], sizes = [816, 2], strides = [1, 1]} : vector<832x64xf32> to vector<816x2xf32>
    %concatenate3A_159 = tpu.concatenate %broadcast_in_dim3A_157, %slice3A_158 in 0 : vector<16x2xf32>, vector<816x2xf32> -> vector<832x2xf32>
    %add3A_160 = arith.addf %add3A_155, %concatenate3A_159 : vector<832x2xf32>
    %broadcast_in_dim3A_161 = arith.constant 0.000000e+00 : f32
    %broadcast_in_dim3A_162 = vector.broadcast %broadcast_in_dim3A_161 : f32 to vector<17x2xf32>
    %slice3A_163 = vector.extract_strided_slice %dot_general3A_81 {offsets = [0, 34], sizes = [815, 2], strides = [1, 1]} : vector<832x64xf32> to vector<815x2xf32>
    %concatenate3A_164 = tpu.concatenate %broadcast_in_dim3A_162, %slice3A_163 in 0 : vector<17x2xf32>, vector<815x2xf32> -> vector<832x2xf32>
    %add3A_165 = arith.addf %add3A_160, %concatenate3A_164 : vector<832x2xf32>
    %broadcast_in_dim3A_166 = arith.constant 0.000000e+00 : f32
    %broadcast_in_dim3A_167 = vector.broadcast %broadcast_in_dim3A_166 : f32 to vector<18x2xf32>
    %slice3A_168 = vector.extract_strided_slice %dot_general3A_81 {offsets = [0, 36], sizes = [814, 2], strides = [1, 1]} : vector<832x64xf32> to vector<814x2xf32>
    %concatenate3A_169 = tpu.concatenate %broadcast_in_dim3A_167, %slice3A_168 in 0 : vector<18x2xf32>, vector<814x2xf32> -> vector<832x2xf32>
    %add3A_170 = arith.addf %add3A_165, %concatenate3A_169 : vector<832x2xf32>
    %broadcast_in_dim3A_171 = arith.constant 0.000000e+00 : f32
    %broadcast_in_dim3A_172 = vector.broadcast %broadcast_in_dim3A_171 : f32 to vector<19x2xf32>
    %slice3A_173 = vector.extract_strided_slice %dot_general3A_81 {offsets = [0, 38], sizes = [813, 2], strides = [1, 1]} : vector<832x64xf32> to vector<813x2xf32>
    %concatenate3A_174 = tpu.concatenate %broadcast_in_dim3A_172, %slice3A_173 in 0 : vector<19x2xf32>, vector<813x2xf32> -> vector<832x2xf32>
    %add3A_175 = arith.addf %add3A_170, %concatenate3A_174 : vector<832x2xf32>
    %broadcast_in_dim3A_176 = arith.constant 0.000000e+00 : f32
    %broadcast_in_dim3A_177 = vector.broadcast %broadcast_in_dim3A_176 : f32 to vector<20x2xf32>
    %slice3A_178 = vector.extract_strided_slice %dot_general3A_81 {offsets = [0, 40], sizes = [812, 2], strides = [1, 1]} : vector<832x64xf32> to vector<812x2xf32>
    %concatenate3A_179 = tpu.concatenate %broadcast_in_dim3A_177, %slice3A_178 in 0 : vector<20x2xf32>, vector<812x2xf32> -> vector<832x2xf32>
    %add3A_180 = arith.addf %add3A_175, %concatenate3A_179 : vector<832x2xf32>
    %broadcast_in_dim3A_181 = arith.constant 0.000000e+00 : f32
    %broadcast_in_dim3A_182 = vector.broadcast %broadcast_in_dim3A_181 : f32 to vector<21x2xf32>
    %slice3A_183 = vector.extract_strided_slice %dot_general3A_81 {offsets = [0, 42], sizes = [811, 2], strides = [1, 1]} : vector<832x64xf32> to vector<811x2xf32>
    %concatenate3A_184 = tpu.concatenate %broadcast_in_dim3A_182, %slice3A_183 in 0 : vector<21x2xf32>, vector<811x2xf32> -> vector<832x2xf32>
    %add3A_185 = arith.addf %add3A_180, %concatenate3A_184 : vector<832x2xf32>
    %broadcast_in_dim3A_186 = arith.constant 0.000000e+00 : f32
    %broadcast_in_dim3A_187 = vector.broadcast %broadcast_in_dim3A_186 : f32 to vector<22x2xf32>
    %slice3A_188 = vector.extract_strided_slice %dot_general3A_81 {offsets = [0, 44], sizes = [810, 2], strides = [1, 1]} : vector<832x64xf32> to vector<810x2xf32>
    %concatenate3A_189 = tpu.concatenate %broadcast_in_dim3A_187, %slice3A_188 in 0 : vector<22x2xf32>, vector<810x2xf32> -> vector<832x2xf32>
    %add3A_190 = arith.addf %add3A_185, %concatenate3A_189 : vector<832x2xf32>
    %broadcast_in_dim3A_191 = arith.constant 0.000000e+00 : f32
    %broadcast_in_dim3A_192 = vector.broadcast %broadcast_in_dim3A_191 : f32 to vector<23x2xf32>
    %slice3A_193 = vector.extract_strided_slice %dot_general3A_81 {offsets = [0, 46], sizes = [809, 2], strides = [1, 1]} : vector<832x64xf32> to vector<809x2xf32>
    %concatenate3A_194 = tpu.concatenate %broadcast_in_dim3A_192, %slice3A_193 in 0 : vector<23x2xf32>, vector<809x2xf32> -> vector<832x2xf32>
    %add3A_195 = arith.addf %add3A_190, %concatenate3A_194 : vector<832x2xf32>
    %broadcast_in_dim3A_196 = arith.constant 0.000000e+00 : f32
    %broadcast_in_dim3A_197 = vector.broadcast %broadcast_in_dim3A_196 : f32 to vector<24x2xf32>
    %slice3A_198 = vector.extract_strided_slice %dot_general3A_81 {offsets = [0, 48], sizes = [808, 2], strides = [1, 1]} : vector<832x64xf32> to vector<808x2xf32>
    %concatenate3A_199 = tpu.concatenate %broadcast_in_dim3A_197, %slice3A_198 in 0 : vector<24x2xf32>, vector<808x2xf32> -> vector<832x2xf32>
    %add3A_200 = arith.addf %add3A_195, %concatenate3A_199 : vector<832x2xf32>
    %broadcast_in_dim3A_201 = arith.constant 0.000000e+00 : f32
    %broadcast_in_dim3A_202 = vector.broadcast %broadcast_in_dim3A_201 : f32 to vector<25x2xf32>
    %slice3A_203 = vector.extract_strided_slice %dot_general3A_81 {offsets = [0, 50], sizes = [807, 2], strides = [1, 1]} : vector<832x64xf32> to vector<807x2xf32>
    %concatenate3A_204 = tpu.concatenate %broadcast_in_dim3A_202, %slice3A_203 in 0 : vector<25x2xf32>, vector<807x2xf32> -> vector<832x2xf32>
    %add3A_205 = arith.addf %add3A_200, %concatenate3A_204 : vector<832x2xf32>
    %broadcast_in_dim3A_206 = arith.constant 0.000000e+00 : f32
    %broadcast_in_dim3A_207 = vector.broadcast %broadcast_in_dim3A_206 : f32 to vector<26x2xf32>
    %slice3A_208 = vector.extract_strided_slice %dot_general3A_81 {offsets = [0, 52], sizes = [806, 2], strides = [1, 1]} : vector<832x64xf32> to vector<806x2xf32>
    %concatenate3A_209 = tpu.concatenate %broadcast_in_dim3A_207, %slice3A_208 in 0 : vector<26x2xf32>, vector<806x2xf32> -> vector<832x2xf32>
    %add3A_210 = arith.addf %add3A_205, %concatenate3A_209 : vector<832x2xf32>
    %broadcast_in_dim3A_211 = arith.constant 0.000000e+00 : f32
    %broadcast_in_dim3A_212 = vector.broadcast %broadcast_in_dim3A_211 : f32 to vector<27x2xf32>
    %slice3A_213 = vector.extract_strided_slice %dot_general3A_81 {offsets = [0, 54], sizes = [805, 2], strides = [1, 1]} : vector<832x64xf32> to vector<805x2xf32>
    %concatenate3A_214 = tpu.concatenate %broadcast_in_dim3A_212, %slice3A_213 in 0 : vector<27x2xf32>, vector<805x2xf32> -> vector<832x2xf32>
    %add3A_215 = arith.addf %add3A_210, %concatenate3A_214 : vector<832x2xf32>
    %broadcast_in_dim3A_216 = arith.constant 0.000000e+00 : f32
    %broadcast_in_dim3A_217 = vector.broadcast %broadcast_in_dim3A_216 : f32 to vector<28x2xf32>
    %slice3A_218 = vector.extract_strided_slice %dot_general3A_81 {offsets = [0, 56], sizes = [804, 2], strides = [1, 1]} : vector<832x64xf32> to vector<804x2xf32>
    %concatenate3A_219 = tpu.concatenate %broadcast_in_dim3A_217, %slice3A_218 in 0 : vector<28x2xf32>, vector<804x2xf32> -> vector<832x2xf32>
    %add3A_220 = arith.addf %add3A_215, %concatenate3A_219 : vector<832x2xf32>
    %broadcast_in_dim3A_221 = arith.constant 0.000000e+00 : f32
    %broadcast_in_dim3A_222 = vector.broadcast %broadcast_in_dim3A_221 : f32 to vector<29x2xf32>
    %slice3A_223 = vector.extract_strided_slice %dot_general3A_81 {offsets = [0, 58], sizes = [803, 2], strides = [1, 1]} : vector<832x64xf32> to vector<803x2xf32>
    %concatenate3A_224 = tpu.concatenate %broadcast_in_dim3A_222, %slice3A_223 in 0 : vector<29x2xf32>, vector<803x2xf32> -> vector<832x2xf32>
    %add3A_225 = arith.addf %add3A_220, %concatenate3A_224 : vector<832x2xf32>
    %broadcast_in_dim3A_226 = arith.constant 0.000000e+00 : f32
    %broadcast_in_dim3A_227 = vector.broadcast %broadcast_in_dim3A_226 : f32 to vector<30x2xf32>
    %slice3A_228 = vector.extract_strided_slice %dot_general3A_81 {offsets = [0, 60], sizes = [802, 2], strides = [1, 1]} : vector<832x64xf32> to vector<802x2xf32>
    %concatenate3A_229 = tpu.concatenate %broadcast_in_dim3A_227, %slice3A_228 in 0 : vector<30x2xf32>, vector<802x2xf32> -> vector<832x2xf32>
    %add3A_230 = arith.addf %add3A_225, %concatenate3A_229 : vector<832x2xf32>
    %broadcast_in_dim3A_231 = arith.constant 0.000000e+00 : f32
    %broadcast_in_dim3A_232 = vector.broadcast %broadcast_in_dim3A_231 : f32 to vector<31x2xf32>
    %slice3A_233 = vector.extract_strided_slice %dot_general3A_81 {offsets = [0, 62], sizes = [801, 2], strides = [1, 1]} : vector<832x64xf32> to vector<801x2xf32>
    %concatenate3A_234 = tpu.concatenate %broadcast_in_dim3A_232, %slice3A_233 in 0 : vector<31x2xf32>, vector<801x2xf32> -> vector<832x2xf32>
    %add3A_235 = arith.addf %add3A_230, %concatenate3A_234 : vector<832x2xf32>
    %swap3A = arith.constant 0 : index
    %swap3A_236 = arith.constant 0 : index
    %swap3A_237 = vector.load %arg1[%swap3A, %swap3A_236] : memref<832x2xf32, #tpu.memory_space<vmem>>, vector<832x2xf32>
    tpu.vector_store %arg1[%swap3A, %swap3A_236], %add3A_235 {strides = array<i32>} : memref<832x2xf32, #tpu.memory_space<vmem>>, vector<832x2xf32>,
    return
  }
}

module attributes {stable_mosaic.version = 14 : i64} {
  func.func @_pq_body(%arg0: i32, %arg1: memref<832x2048xf32, #tpu.memory_space<vmem>>, %arg2: memref<832x2048xf32, #tpu.memory_space<vmem>>, %arg3: memref<2048x256xbf16, #tpu.memory_space<vmem>>, %arg4: memref<2048x256xbf16, #tpu.memory_space<vmem>>, %arg5: memref<2048x256xbf16, #tpu.memory_space<vmem>>, %arg6: memref<2048x256xbf16, #tpu.memory_space<vmem>>, %arg7: memref<1x256xf32, #tpu.memory_space<vmem>>, %arg8: memref<1x256xf32, #tpu.memory_space<vmem>>, %arg9: memref<832x256xbf16, #tpu.memory_space<vmem>>, %arg10: memref<832x256xbf16, #tpu.memory_space<vmem>>) attributes {dimension_semantics = [#tpu.dimension_semantics<arbitrary>], iteration_bounds = array<i64: 8>, scalar_prefetch = 0 : i64, scratch_operands = 0 : i64, tpu.core_type = #tpu.core_type<tc>, window_params = [{pipeline_mode = #tpu.pipeline_mode<synchronous>, transform_indices = @transform_0, window_bounds = array<i64: 832, 2048>}, {pipeline_mode = #tpu.pipeline_mode<synchronous>, transform_indices = @transform_1, window_bounds = array<i64: 832, 2048>}, {transform_indices = @transform_2, window_bounds = array<i64: 2048, 256>}, {transform_indices = @transform_3, window_bounds = array<i64: 2048, 256>}, {transform_indices = @transform_4, window_bounds = array<i64: 2048, 256>}, {transform_indices = @transform_5, window_bounds = array<i64: 2048, 256>}, {transform_indices = @transform_6, window_bounds = array<i64: 1, 256>}, {transform_indices = @transform_7, window_bounds = array<i64: 1, 256>}, {transform_indices = @transform_8, window_bounds = array<i64: 832, 256>}, {transform_indices = @transform_9, window_bounds = array<i64: 832, 256>}]} {
    %get3A = arith.constant 0 : index
    %get3A_0 = arith.constant 0 : index
    %get3A_1 = vector.load %arg1[%get3A, %get3A_0] : memref<832x2048xf32, #tpu.memory_space<vmem>>, vector<832x2048xf32>
    %convert_element_type3A = arith.truncf %get3A_1 : vector<832x2048xf32> to vector<832x2048xbf16>
    %get3A_2 = arith.constant 0 : index
    %get3A_3 = arith.constant 0 : index
    %get3A_4 = vector.load %arg2[%get3A_2, %get3A_3] : memref<832x2048xf32, #tpu.memory_space<vmem>>, vector<832x2048xf32>
    %convert_element_type3A_5 = arith.truncf %get3A_4 : vector<832x2048xf32> to vector<832x2048xbf16>
    %get3A_6 = arith.constant 0 : index
    %get3A_7 = arith.constant 0 : index
    %get3A_8 = vector.load %arg3[%get3A_6, %get3A_7] : memref<2048x256xbf16, #tpu.memory_space<vmem>>, vector<2048x256xbf16>
    %dot_general3A = arith.constant dense<0.000000e+00> : vector<832x256xf32>
    %dot_general3A_9 = tpu.matmul %convert_element_type3A, %get3A_8, %dot_general3A {dimension_numbers = #tpu.dot_dimension_numbers<[1], [0], [0], [1], [0, 0, 1, 1], [], []>, transpose_lhs_hint = false} : vector<832x2048xbf16>, vector<2048x256xbf16>, vector<832x256xf32> -> vector<832x256xf32>
    %get3A_10 = arith.constant 0 : index
    %get3A_11 = arith.constant 0 : index
    %get3A_12 = vector.load %arg4[%get3A_10, %get3A_11] : memref<2048x256xbf16, #tpu.memory_space<vmem>>, vector<2048x256xbf16>
    %dot_general3A_13 = arith.constant dense<0.000000e+00> : vector<832x256xf32>
    %dot_general3A_14 = tpu.matmul %convert_element_type3A_5, %get3A_12, %dot_general3A_13 {dimension_numbers = #tpu.dot_dimension_numbers<[1], [0], [0], [1], [0, 0, 1, 1], [], []>, transpose_lhs_hint = false} : vector<832x2048xbf16>, vector<2048x256xbf16>, vector<832x256xf32> -> vector<832x256xf32>
    %add3A = arith.addf %dot_general3A_9, %dot_general3A_14 : vector<832x256xf32>
    %get3A_15 = arith.constant 0 : index
    %get3A_16 = arith.constant 0 : index
    %get3A_17 = vector.load %arg7[%get3A_15, %get3A_16] : memref<1x256xf32, #tpu.memory_space<vmem>>, vector<1x256xf32>
    %add3A_18 = vector.broadcast %get3A_17 : vector<1x256xf32> to vector<832x256xf32>
    %add3A_19 = arith.addf %add3A, %add3A_18 : vector<832x256xf32>
    %convert_element_type3A_20 = arith.truncf %add3A_19 : vector<832x256xf32> to vector<832x256xbf16>
    %swap3A = arith.constant 0 : index
    %swap3A_21 = arith.constant 0 : index
    %swap3A_22 = vector.load %arg9[%swap3A, %swap3A_21] : memref<832x256xbf16, #tpu.memory_space<vmem>>, vector<832x256xbf16>
    tpu.vector_store %arg9[%swap3A, %swap3A_21], %convert_element_type3A_20 {strides = array<i32>} : memref<832x256xbf16, #tpu.memory_space<vmem>>, vector<832x256xbf16>,
    %get3A_23 = arith.constant 0 : index
    %get3A_24 = arith.constant 0 : index
    %get3A_25 = vector.load %arg5[%get3A_23, %get3A_24] : memref<2048x256xbf16, #tpu.memory_space<vmem>>, vector<2048x256xbf16>
    %dot_general3A_26 = arith.constant dense<0.000000e+00> : vector<832x256xf32>
    %dot_general3A_27 = tpu.matmul %convert_element_type3A, %get3A_25, %dot_general3A_26 {dimension_numbers = #tpu.dot_dimension_numbers<[1], [0], [0], [1], [0, 0, 1, 1], [], []>, transpose_lhs_hint = false} : vector<832x2048xbf16>, vector<2048x256xbf16>, vector<832x256xf32> -> vector<832x256xf32>
    %get3A_28 = arith.constant 0 : index
    %get3A_29 = arith.constant 0 : index
    %get3A_30 = vector.load %arg6[%get3A_28, %get3A_29] : memref<2048x256xbf16, #tpu.memory_space<vmem>>, vector<2048x256xbf16>
    %dot_general3A_31 = arith.constant dense<0.000000e+00> : vector<832x256xf32>
    %dot_general3A_32 = tpu.matmul %convert_element_type3A_5, %get3A_30, %dot_general3A_31 {dimension_numbers = #tpu.dot_dimension_numbers<[1], [0], [0], [1], [0, 0, 1, 1], [], []>, transpose_lhs_hint = false} : vector<832x2048xbf16>, vector<2048x256xbf16>, vector<832x256xf32> -> vector<832x256xf32>
    %add3A_33 = arith.addf %dot_general3A_27, %dot_general3A_32 : vector<832x256xf32>
    %get3A_34 = arith.constant 0 : index
    %get3A_35 = arith.constant 0 : index
    %get3A_36 = vector.load %arg8[%get3A_34, %get3A_35] : memref<1x256xf32, #tpu.memory_space<vmem>>, vector<1x256xf32>
    %add3A_37 = vector.broadcast %get3A_36 : vector<1x256xf32> to vector<832x256xf32>
    %add3A_38 = arith.addf %add3A_33, %add3A_37 : vector<832x256xf32>
    %convert_element_type3A_39 = arith.truncf %add3A_38 : vector<832x256xf32> to vector<832x256xbf16>
    %swap3A_40 = arith.constant 0 : index
    %swap3A_41 = arith.constant 0 : index
    %swap3A_42 = vector.load %arg10[%swap3A_40, %swap3A_41] : memref<832x256xbf16, #tpu.memory_space<vmem>>, vector<832x256xbf16>
    tpu.vector_store %arg10[%swap3A_40, %swap3A_41], %convert_element_type3A_39 {strides = array<i32>} : memref<832x256xbf16, #tpu.memory_space<vmem>>, vector<832x256xbf16>,
    return
  }
  func.func @transform_0(%arg0: i32) -> (i32, i32) {
    %c0_i32 = arith.constant 0 : i32
    %c0_i32_0 = arith.constant 0 : i32
    %c0_i32_1 = arith.constant 0 : i32
    return %c0_i32, %c0_i32_0 : i32, i32
  }
  func.func @transform_1(%arg0: i32) -> (i32, i32) {
    %c0_i32 = arith.constant 0 : i32
    %c0_i32_0 = arith.constant 0 : i32
    %c0_i32_1 = arith.constant 0 : i32
    return %c0_i32, %c0_i32_0 : i32, i32
  }
  func.func @transform_2(%arg0: i32) -> (i32, i32) {
    %c0_i32 = arith.constant 0 : i32
    %c0_i32_0 = arith.constant 0 : i32
    return %c0_i32, %arg0 : i32, i32
  }
  func.func @transform_3(%arg0: i32) -> (i32, i32) {
    %c0_i32 = arith.constant 0 : i32
    %c0_i32_0 = arith.constant 0 : i32
    return %c0_i32, %arg0 : i32, i32
  }
  func.func @transform_4(%arg0: i32) -> (i32, i32) {
    %c0_i32 = arith.constant 0 : i32
    %c0_i32_0 = arith.constant 0 : i32
    return %c0_i32, %arg0 : i32, i32
  }
  func.func @transform_5(%arg0: i32) -> (i32, i32) {
    %c0_i32 = arith.constant 0 : i32
    %c0_i32_0 = arith.constant 0 : i32
    return %c0_i32, %arg0 : i32, i32
  }
  func.func @transform_6(%arg0: i32) -> (i32, i32) {
    %c0_i32 = arith.constant 0 : i32
    %c0_i32_0 = arith.constant 0 : i32
    return %c0_i32, %arg0 : i32, i32
  }
  func.func @transform_7(%arg0: i32) -> (i32, i32) {
    %c0_i32 = arith.constant 0 : i32
    %c0_i32_0 = arith.constant 0 : i32
    return %c0_i32, %arg0 : i32, i32
  }
  func.func @transform_8(%arg0: i32) -> (i32, i32) {
    %c0_i32 = arith.constant 0 : i32
    %c0_i32_0 = arith.constant 0 : i32
    return %c0_i32, %arg0 : i32, i32
  }
  func.func @transform_9(%arg0: i32) -> (i32, i32) {
    %c0_i32 = arith.constant 0 : i32
    %c0_i32_0 = arith.constant 0 : i32
    return %c0_i32, %arg0 : i32, i32
  }
}

module attributes {stable_mosaic.version = 14 : i64} {
  func.func @_final_body(%arg0: i32, %arg1: memref<208x2048xbf16, #tpu.memory_space<vmem>>, %arg2: memref<208x2048xbf16, #tpu.memory_space<vmem>>, %arg3: memref<832x2048xf32, #tpu.memory_space<vmem>>, %arg4: memref<832x2048xf32, #tpu.memory_space<vmem>>, %arg5: memref<208x1xf32, #tpu.memory_space<vmem>>, %arg6: memref<1x832xf32, #tpu.memory_space<vmem>>, %arg7: memref<208x832xf32, #tpu.memory_space<vmem>>) attributes {dimension_semantics = [#tpu.dimension_semantics<arbitrary>], iteration_bounds = array<i64: 4>, scalar_prefetch = 0 : i64, scratch_operands = 0 : i64, tpu.core_type = #tpu.core_type<tc>, window_params = [{transform_indices = @transform_0, window_bounds = array<i64: 208, 2048>}, {transform_indices = @transform_1, window_bounds = array<i64: 208, 2048>}, {pipeline_mode = #tpu.pipeline_mode<synchronous>, transform_indices = @transform_2, window_bounds = array<i64: 832, 2048>}, {pipeline_mode = #tpu.pipeline_mode<synchronous>, transform_indices = @transform_3, window_bounds = array<i64: 832, 2048>}, {transform_indices = @transform_4, window_bounds = array<i64: 208, 1>}, {pipeline_mode = #tpu.pipeline_mode<synchronous>, transform_indices = @transform_5, window_bounds = array<i64: 1, 832>}, {transform_indices = @transform_6, window_bounds = array<i64: 208, 832>}]} {
    %get3A = arith.constant 0 : index
    %get3A_0 = arith.constant 0 : index
    %get3A_1 = vector.load %arg1[%get3A, %get3A_0] : memref<208x2048xbf16, #tpu.memory_space<vmem>>, vector<208x2048xbf16>
    %get3A_2 = arith.constant 0 : index
    %get3A_3 = arith.constant 0 : index
    %get3A_4 = vector.load %arg3[%get3A_2, %get3A_3] : memref<832x2048xf32, #tpu.memory_space<vmem>>, vector<832x2048xf32>
    %convert_element_type3A = arith.truncf %get3A_4 : vector<832x2048xf32> to vector<832x2048xbf16>
    %dot_general3A = arith.constant dense<0.000000e+00> : vector<208x832xf32>
    %dot_general3A_5 = tpu.matmul %get3A_1, %convert_element_type3A, %dot_general3A {dimension_numbers = #tpu.dot_dimension_numbers<[1], [1], [0], [0], [0, 0, 1, 0], [], []>, transpose_lhs_hint = false} : vector<208x2048xbf16>, vector<832x2048xbf16>, vector<208x832xf32> -> vector<208x832xf32>
    %get3A_6 = arith.constant 0 : index
    %get3A_7 = arith.constant 0 : index
    %get3A_8 = vector.load %arg2[%get3A_6, %get3A_7] : memref<208x2048xbf16, #tpu.memory_space<vmem>>, vector<208x2048xbf16>
    %get3A_9 = arith.constant 0 : index
    %get3A_10 = arith.constant 0 : index
    %get3A_11 = vector.load %arg4[%get3A_9, %get3A_10] : memref<832x2048xf32, #tpu.memory_space<vmem>>, vector<832x2048xf32>
    %convert_element_type3A_12 = arith.truncf %get3A_11 : vector<832x2048xf32> to vector<832x2048xbf16>
    %dot_general3A_13 = arith.constant dense<0.000000e+00> : vector<208x832xf32>
    %dot_general3A_14 = tpu.matmul %get3A_8, %convert_element_type3A_12, %dot_general3A_13 {dimension_numbers = #tpu.dot_dimension_numbers<[1], [1], [0], [0], [0, 0, 1, 0], [], []>, transpose_lhs_hint = false} : vector<208x2048xbf16>, vector<832x2048xbf16>, vector<208x832xf32> -> vector<208x832xf32>
    %add3A = arith.addf %dot_general3A_5, %dot_general3A_14 : vector<208x832xf32>
    %get3A_15 = arith.constant 0 : index
    %get3A_16 = arith.constant 0 : index
    %get3A_17 = vector.load %arg5[%get3A_15, %get3A_16] : memref<208x1xf32, #tpu.memory_space<vmem>>, vector<208x1xf32>
    %add3A_18 = vector.broadcast %get3A_17 : vector<208x1xf32> to vector<208x832xf32>
    %add3A_19 = arith.addf %add3A, %add3A_18 : vector<208x832xf32>
    %get3A_20 = arith.constant 0 : index
    %get3A_21 = arith.constant 0 : index
    %get3A_22 = vector.load %arg6[%get3A_20, %get3A_21] : memref<1x832xf32, #tpu.memory_space<vmem>>, vector<1x832xf32>
    %add3A_23 = vector.broadcast %get3A_22 : vector<1x832xf32> to vector<208x832xf32>
    %add3A_24 = arith.addf %add3A_19, %add3A_23 : vector<208x832xf32>
    %mul3A = arith.constant 208 : i32
    %mul3A_25 = arith.muli %arg0, %mul3A : i32
    %iota3A = tpu.iota {dimensions = array<i32: 0>} : vector<208x832xi32>
    %add3A_26 = vector.broadcast %mul3A_25 : i32 to vector<208x832xi32>
    %add3A_27 = arith.addi %add3A_26, %iota3A : vector<208x832xi32>
    %iota3A_28 = tpu.iota {dimensions = array<i32: 1>} : vector<208x832xi32>
    %lt3A = arith.cmpi slt, %iota3A_28, %add3A_27 : vector<208x832xi32>
    %jit3A = arith.constant -1.000000e+04 : f32
    %jit3A_29 = arith.constant 1.000000e+04 : f32
    %max3A = vector.broadcast %jit3A : f32 to vector<208x832xf32>
    %max3A_30 = arith.maximumf %max3A, %add3A_24 : vector<208x832xf32>
    %min3A = vector.broadcast %jit3A_29 : f32 to vector<208x832xf32>
    %min3A_31 = arith.minimumf %min3A, %max3A_30 : vector<208x832xf32>
    %sub3A = arith.constant 1.000000e+04 : f32
    %sub3A_32 = vector.broadcast %sub3A : f32 to vector<208x832xf32>
    %sub3A_33 = arith.subf %add3A_24, %sub3A_32 : vector<208x832xf32>
    %jit3A_34 = arith.constant -1.000000e+04 : f32
    %jit3A_35 = arith.constant 1.000000e+04 : f32
    %max3A_36 = vector.broadcast %jit3A_34 : f32 to vector<208x832xf32>
    %max3A_37 = arith.maximumf %max3A_36, %sub3A_33 : vector<208x832xf32>
    %min3A_38 = vector.broadcast %jit3A_35 : f32 to vector<208x832xf32>
    %min3A_39 = arith.minimumf %min3A_38, %max3A_37 : vector<208x832xf32>
    %select_n3A = arith.select %lt3A, %min3A_31, %min3A_39 : vector<208x832xi1>, vector<208x832xf32>
    %swap3A = arith.constant 0 : index
    %swap3A_40 = arith.constant 0 : index
    %swap3A_41 = vector.load %arg7[%swap3A, %swap3A_40] : memref<208x832xf32, #tpu.memory_space<vmem>>, vector<208x832xf32>
    tpu.vector_store %arg7[%swap3A, %swap3A_40], %select_n3A {strides = array<i32>} : memref<208x832xf32, #tpu.memory_space<vmem>>, vector<208x832xf32>,
    return
  }
  func.func @transform_0(%arg0: i32) -> (i32, i32) {
    %c0_i32 = arith.constant 0 : i32
    %c0_i32_0 = arith.constant 0 : i32
    return %arg0, %c0_i32 : i32, i32
  }
  func.func @transform_1(%arg0: i32) -> (i32, i32) {
    %c0_i32 = arith.constant 0 : i32
    %c0_i32_0 = arith.constant 0 : i32
    return %arg0, %c0_i32 : i32, i32
  }
  func.func @transform_2(%arg0: i32) -> (i32, i32) {
    %c0_i32 = arith.constant 0 : i32
    %c0_i32_0 = arith.constant 0 : i32
    %c0_i32_1 = arith.constant 0 : i32
    return %c0_i32, %c0_i32_0 : i32, i32
  }
  func.func @transform_3(%arg0: i32) -> (i32, i32) {
    %c0_i32 = arith.constant 0 : i32
    %c0_i32_0 = arith.constant 0 : i32
    %c0_i32_1 = arith.constant 0 : i32
    return %c0_i32, %c0_i32_0 : i32, i32
  }
  func.func @transform_4(%arg0: i32) -> (i32, i32) {
    %c0_i32 = arith.constant 0 : i32
    %c0_i32_0 = arith.constant 0 : i32
    return %arg0, %c0_i32 : i32, i32
  }
  func.func @transform_5(%arg0: i32) -> (i32, i32) {
    %c0_i32 = arith.constant 0 : i32
    %c0_i32_0 = arith.constant 0 : i32
    %c0_i32_1 = arith.constant 0 : i32
    return %c0_i32, %c0_i32_0 : i32, i32
  }
  func.func @transform_6(%arg0: i32) -> (i32, i32) {
    %c0_i32 = arith.constant 0 : i32
    %c0_i32_0 = arith.constant 0 : i32
    return %arg0, %c0_i32 : i32, i32
  }
}

</mosaic_0001>

<sc_bundles>
// kernel: kernel.11.cloned.1.call-start
scs
__scs_entry_jumppad:
0x0: {  	(pc) =	sbr.rel $0x88, $3  }
0x1: {  	(tag) =	ssettag $0x0;
	lr =	simm.s32 $0x1  }
0x2: {  	[smem:$0x3F84] =	sst lr;
	_ =	strace $0xD0000000  }
0x3: {  	_ = 	snop  }
0x4: {  	_ = 	snop  }
0x5: {  	_ = 	snop  }
0x6: {  	_ = 	snop  }
0x7: {  	_ = 	snop  }
__scs_overlays_trampoline_lowered:
0x8: {  	[smem:$0x3F93] =	sst s0  }
0x9: {  	[smem:$0x3F94] =	sst s1  }
0xa: {  	[smem:$0x3F95] =	sst s2  }
0xb: {  	[smem:$0x3F96] =	sst s3  }
0xc: {  	[smem:$0x3F97] =	sst s4  }
0xd: {  	[smem:$0x3F98] =	sst s5  }
0xe: {  	[smem:$0x3F99] =	sst s6  }
0xf: {  	[smem:$0x3F9A] =	sst s7  }
0x10: {  	[smem:$0x3F9B] =	sst s8  }
0x11: {  	[smem:$0x3F9C] =	sst s9;
	s0 =	simm.s32 @!p0 $0x0  }
0x12: {  	s1 =	sld [smem:$0x3F82];
	s0 =	simm.s32 @p0 $0x1  }
0x13: {  	[smem:$0x3F9D] =	sst s0;
	s0 =	simm.s32 @!p1 $0x0  }
0x14: {  	s2 =	sld [smem:$0x3F81];
	s0 =	simm.s32 @p1 $0x1  }
0x15: {  	[smem:$0x3F9E] =	sst s0;
	s0 =	simm.s32 @!p2 $0x0  }
0x16: {  	s3 =	sld [smem:$0x3FDB];
	s0 =	simm.s32 @p2 $0x1  }
0x17: {  	s4 =	simm.s32 $0x1BF5;
	[smem:$0x3FA0] =	sst s0  }
0x18: {  	s0 =	sld [smem:$0x3F83];
	_ =	swait.ge [sflag:s4], $0x0  }
0x19: {  	s7 =	sld [smem:$0x3F84]  }
0x1a: {  	s8 =	sadd.s32 $0xFFFFE003, lr  }
0x1b: {  	s9 =	sadd.s32 $0xFFFFFEF7, lr;
	s5 =	simm.s32 $0xFFFFFFFF;
	p2 =	slt.u32 s8, $0xFFFFF086  }
0x1c: {  	p1 =	slt.u32 s9, $0xF7A;
	s5 =	simm.s32 @!p2 $0x0  }
0x1d: {  	s5 =	simm.s32 @p1 $0x1;
	p0 =	seq.s32 s7, s2  }
0x1e: {  	s7 =	smul.u32 @!p0 $0xF7A, s2;
	p2 =	seq.s32 @!p0 s5, $0x0  }
0x1f: {  	s9 =	smul.u32 $0xF7A, s1;
	s8 =	simm.s32 @!p0 $0x1BF5;
	p2 =	por !p2, p0  }
0x20: {  	[sflag:s8] =	ssyncset.s32 @!p0 $0xFFFFF086;
	s6 =	sadd.s32 @!p0 s3, s7;
	s7 =	simm.s32 @!p0 $0x108  }
0x21: {  	s3 =	sadd.s32 s3, s9;
	s6 =	sadd.s32 @!p0 $0x88, s6;
	s7 =	simm.s32 @p2 $0x1082  }
0x22: {  	[simem:s7], [sflag:s8] =	dma.local @!p0 [hbm:s6], $0xF7A  }
0x23: {  	s9 =	sor.u32 $0xD0000000, s2;
	s6 =	simm.s32 $0x108;
	_ =	swait.ge @!p0 [sflag:s8], $0x0  }
0x24: {  	s3 =	sadd.s32 $0x88, s3;
	s6 =	simm.s32 @!p1 $0x1082;
	[sflag:s4] =	ssyncset.s32 $0xFFFFF086  }
0x25: {  	[simem:s6], [sflag:s4] =	dma.local [hbm:s3], $0xF7A  }
0x26: {  	[smem:$0x3F84] =	sst s1;
	(tag) =	ssettag s2;
	_ =	strace s9  }
0x27: {  	s1 =	sld [smem:$0x3F94]  }
0x28: {  	s2 =	sld [smem:$0x3F95]  }
0x29: {  	s4 =	sld [smem:$0x3F97]  }
0x2a: {  	p0 =	seq.s32 s5, $0x0;
	s5 =	sld [smem:$0x3F98]  }
0x2b: {  	s6 =	sld [smem:$0x3F99]  }
0x2c: {  	s7 =	sld [smem:$0x3F9A]  }
0x2d: {  	s3 =	simm.s32 $0x108;
	s8 =	sld [smem:$0x3F9B]  }
0x2e: {  	s3 =	simm.s32 @!p0 $0x1082;
	s9 =	sld [smem:$0x3F9C]  }
0x2f: {  	lr =	sadd.s32 s0, s3;
	s0 =	sld [smem:$0x3F93]  }
0x30: {  	s3 =	sld [smem:$0x3F96]  }
0x31: {  	[smem:$0x3F9F] =	sst s10  }
0x32: {  	s10 =	sld [smem:$0x3F9D];
	_ =	sdelay $0x3  }
0x33: {  	p0 =	seq.s32 s10, $0x1;
	s10 =	sld [smem:$0x3F9F];
	_ =	sdelay $0x3  }
0x34: {  	[smem:$0x3F9F] =	sst s10  }
0x35: {  	s10 =	sld [smem:$0x3F9E];
	_ =	sdelay $0x3  }
0x36: {  	p1 =	seq.s32 s10, $0x1;
	s10 =	sld [smem:$0x3F9F];
	_ =	sdelay $0x3  }
0x37: {  	[smem:$0x3F9F] =	sst s10  }
0x38: {  	s10 =	sld [smem:$0x3FA0]  }
0x39: {  	_ = 	snop;
	(pc) =	sbr.ind lr, $3  }
0x3a: {  	_ = 	snop  }
0x3b: {  	_ = 	snop  }
0x3c: {  	p2 =	seq.s32 s10, $0x1;
	s10 =	sld [smem:$0x3F9F]  }
0x3d: {  	_ =	shalt  }
0x3e: {  	_ =	shalt  }
0x3f: {  	_ =	shalt  }
0x40: {  	_ =	shalt  }
0x41: {  	_ =	shalt  }
0x42: {  	_ =	shalt  }
0x43: {  	_ =	shalt  }
0x44: {  	_ =	shalt  }
0x45: {  	_ =	shalt  }
0x46: {  	_ =	shalt  }
0x47: {  	_ =	shalt  }
0x48: {  	_ =	shalt  }
0x49: {  	_ =	shalt  }
0x4a: {  	_ =	shalt  }
0x4b: {  	_ =	shalt  }
0x4c: {  	_ =	shalt  }
0x4d: {  	_ =	shalt  }
0x4e: {  	_ =	shalt  }
0x4f: {  	_ =	shalt  }
0x50: {  	_ =	shalt  }
0x51: {  	_ =	shalt  }
0x52: {  	_ =	shalt  }
0x53: {  	_ =	shalt  }
0x54: {  	_ =	shalt  }
0x55: {  	_ =	shalt  }
0x56: {  	_ =	shalt  }
0x57: {  	_ =	shalt  }
0x58: {  	_ =	shalt  }
0x59: {  	_ =	shalt  }
0x5a: {  	_ =	shalt  }
0x5b: {  	_ =	shalt  }
0x5c: {  	_ =	shalt  }
0x5d: {  	_ =	shalt  }
0x5e: {  	_ =	shalt  }
0x5f: {  	_ =	shalt  }
0x60: {  	_ =	shalt  }
0x61: {  	_ =	shalt  }
0x62: {  	_ =	shalt  }
0x63: {  	_ =	shalt  }
0x64: {  	_ =	shalt  }
0x65: {  	_ =	shalt  }
0x66: {  	_ =	shalt  }
0x67: {  	_ =	shalt  }
0x68: {  	_ =	shalt  }
0x69: {  	_ =	shalt  }
0x6a: {  	_ =	shalt  }
0x6b: {  	_ =	shalt  }
0x6c: {  	_ =	shalt  }
0x6d: {  	_ =	shalt  }
0x6e: {  	_ =	shalt  }
0x6f: {  	_ =	shalt  }
0x70: {  	_ =	shalt  }
0x71: {  	_ =	shalt  }
0x72: {  	_ =	shalt  }
0x73: {  	_ =	shalt  }
0x74: {  	_ =	shalt  }
0x75: {  	_ =	shalt  }
0x76: {  	_ =	shalt  }
0x77: {  	_ =	shalt  }
0x78: {  	_ =	shalt  }
0x79: {  	_ =	shalt  }
0x7a: {  	_ =	shalt  }
0x7b: {  	_ =	shalt  }
0x7c: {  	_ =	shalt  }
0x7d: {  	_ =	shalt  }
0x7e: {  	_ =	shalt  }
0x7f: {  	_ =	shalt  }
0x80: {  	_ =	shalt  }
0x81: {  	_ =	shalt  }
0x82: {  	_ =	shalt  }
0x83: {  	_ =	shalt  }
0x84: {  	_ =	shalt  }
0x85: {  	_ =	shalt  }
0x86: {  	_ =	shalt  }
0x87: {  	_ =	shalt  }
.Lfunc_end0:
.L_simem_size_0:
called_computation_lowered:
.L_overlay_start_0:
0x88: {  	s2 =	sld [smem:$0x3FD9]  }
0x89: {  	s3 =	sld [smem:$0x3FFE];
	_ =	sdelay $0x1  }
0x8a: {  	s1 =	srdreg.scid  }
0x8b: {  	s0 =	sand.u32 $0x1, s1  }
0x8c: {  	s17 =	sshll.u32 s0, $0xA;
	s2 =	sadd.s32 s3, s2  }
0x8d: {  	s2 =	sadd.s32 s2, s17  }
0x8e: {  	[smem:$0x3FAB] =	sst s2  }
0x8f: {  	_ = 	snop  }
0x90: {  	s2 =	sld [smem:$0x3FD0];
	(tm) =	ssettm $0x1  }
0x91: {  	s18 =	sld [smem:$0x3FFB];
	_ =	sdelay $0x3  }
0x92: {  	_ =	strace s18  }
0x93: {  	s3 =	sld [smem:$0x3FFC];
	_ =	sdelay $0x3  }
0x94: {  	_ =	strace s3  }
0x95: {  	s3 =	sld [smem:$0x3FFD];
	_ =	sdelay $0x3  }
0x96: {  	_ =	strace s3  }
0x97: {  	_ =	strace $0x8FFFFFFF  }
0x98: {  	s19 =	sld [smem:$0x3FDB];
	_ =	sdelay $0x1  }
0x99: {  	s4 =	simm.s32 $_scs_section_size  }
0x9a: {  	s5 =	simm.s32 $_size__tile_overlayer_lowered;
	s6 =	simm.s32 $_tile_overlayer_lowered  }
0x9b: {  	s22 =	simm.s32 $0x1BFF;
	s21 =	sshll.u32 s6, $0x1;
	s3 =	sadd.s32 s4, s19  }
0x9c: {  	s7 =	simm.s32 $0x0;
	s20 =	sshll.u32 s5, $0x1;
	s5 =	sadd.s32 s21, s3  }
0x9d: {  	[timem:s7], [sflag:s22] =	dma.local [hbm:s5], s20  }
0x9e: {  	_ =	swait.ge [sflag:s22], s20  }
0x9f: {  	s4 =	ssub.s32 $0x0, s20;
	[sflag:s22] =	ssyncset.done $0x0  }
0xa0: {  	[sflag:s22] =	ssyncadd.s32 s4;
	_ =	sdelay $0x1  }
0xa1: {  	s23 =	simm.s32 $0x1B8B  }
0xa2: {  	_ =	swait.ge [sflag:s23], $0x1  }
0xa3: {  	[sflag:s23] =	ssyncset.done $0x0  }
0xa4: {  	s25 =	simm.s32 $0x1B8E;
	s24 =	sld [smem:$0x3FFE];
	[sflag:s23] =	ssyncadd.s32 $0xFFFFFFFF  }
0xa5: {  	s26 =	simm.s32 $execute0_lowered;
	[smem:$0x3FD2] =	sst s25  }
0xa6: {  	s5 =	sshll.u32 s26, $0x1;
	_ =	strace $0x80000046;
	[dreg:$0x1] =	wrdreg $0xFFFFFFFF  }
0xa7: {  	s28 =	simm.s32 $_size_execute0_lowered;
	s3 =	sadd.s32 s3, s5;
	[dreg:$0x0] =	wrdreg $0x0  }
0xa8: {  	s5 =	sshll.u32 s28, $0x1;
	[dreg:$0x2] =	wrdreg s3  }
0xa9: {  	[dreg:$0x3] =	wrdreg s5  }
0xaa: {  	[dreg:$0x4] =	wrdreg $0xC0  }
0xab: {  	_ =	task [dreg:s7], $0x5FFFF  }
0xac: {  	[dreg:$0x1] =	wrdreg $0xFFFFFFFF  }
0xad: {  	[dreg:$0x0] =	wrdreg $0x60  }
0xae: {  	[dreg:$0x2] =	wrdreg s24  }
0xaf: {  	[dreg:$0x3] =	wrdreg s2  }
0xb0: {  	[dreg:$0x4] =	wrdreg $0x9  }
0xb1: {  	_ =	task.clear_ibuf [dreg:s7], $0x5FFFF;
	_ =	strace $0x90000046  }
0xb2: {  	s29 =	simm.s32 $0x9;
	_ =	strace $0x80000048  }
0xb3: {  	_ =	swait.ge [sflag:s29], $0x1  }
0xb4: {  	[sflag:s29] =	ssyncadd.s32 $0xFFFFFFFF  }
0xb5: {  	_ =	strace $0x90000048  }
0xb6: {  	_ =	sfence  }
0xb7: {  	s30 =	sld [smem:$0x0];
	_ =	sdelay $0x2  }
0xb8: {  	s31 =	sshll.u32 s1, $0xD;
	s1 =	sshrl.u32 s1, $0x2  }
0xb9: {  	s3 =	sand.u32 $0x4000, s31;
	s1 =	sadd.s32 s1, s30  }
0xba: {  	s0 =	sor.u32 s3, s0;
	s1 =	sshll.u32 s1, $0x11  }
0xbb: {  	s0 =	sor.u32 s1, s0  }
0xbc: {  	s0 =	sadd.s32 $0x8F2B, s0  }
0xbd: {  	[sflag:s0] =	ssyncadd.remote.s32 $0x1  }
0xbe: {  	_ =	sfence.sel $0xFFFF  }
0xbf: {  	[dreg:$0x0] =	wrdreg $0xFFFFFFFF;
	(pc) =	sbr.abs _section_cstart, $3  }
0xc0: {  	[dreg:$0x1] =	wrdreg $0xFFFFFFFF  }
0xc1: {  	_ =	task.clear_ibuf [dreg:s7], $0x2FFFF;
	_ =	strace $0x9FFFFFFF  }
0xc2: {  	(tm) =	ssettm $0x7FFFFFFF  }
0xc3: {  	_ =	shalt  }
tec
execute0_lowered:
.L_overlay_start_1:
0x0: {  	(tag) =	ssettag $0x1  }
0x1: {  	s3 =	stileid.u32  }
0x2: {  	p0 =	sgt.u32 s3, $0xC  }
.Ltmp0:
0x3: {  	_ = 	snop;
	(pc) =	sbr.rel @p0 .LBB2_3-.Ltmp0, $4  }
0x4: {  	_ = 	snop  }
0x5: {  	s0 =	rddreg [dreg:$0x0];
	s2 =	simm.s32 $0x0  }
0x6: {  	[smem:$0x7FF] =	sst s2  }
0x7: {  	s1 =	rddreg [dreg:$0x1];
	_ =	strace $0x80000047  }
0x8: {  	s3 =	srdreg.scid;
	s25 =	stileid.u32;
	s20 =	sadd.s32 $0x6800, s0  }
0x9: {  	s26 =	sadd.s32 $0x6A00, s0;
	s28 =	sadd.s32 $0x86A00, s0;
	s12 =	sadd.s32 $0x106A00, s0  }
0xa: {  	s22 =	sadd.s32 $0x13AA00, s0;
	s7 =	sadd.s32 $0x6F00, s0;
	[dreg:$0xe] =	wrdreg s26  }
0xb: {  	s9 =	sadd.s32 $0x7000, s0;
	s14 =	sadd.s32 $0x86E00, s0;
	[dreg:$0xf] =	wrdreg s28  }
0xc: {  	s15 =	sadd.s32 $0x86F00, s0;
	s17 =	sadd.s32 $0x87000, s0;
	[dreg:$0x14] =	wrdreg s7  }
0xd: {  	s18 =	sadd.s32 $0x87100, s0;
	s30 =	simm.s32 $0x1200;
	[dreg:$0x15] =	wrdreg s9  }
0xe: {  	s31 =	simm.s32 $0x1A00;
	s19 =	sand.u32 $0x1, s3;
	[dreg:$0x1a] =	wrdreg s14  }
0xf: {  	s3 =	sshll.u32 s25, $0x1;
	[dreg:$0x1b] =	wrdreg s15;
	s26 =	simm.s32 $0x80  }
0x10: {  	s28 =	simm.s32 $0x100;
	s10 =	sor.u32 s19, s3;
	[dreg:$0xb] =	wrdreg s26  }
0x11: {  	s14 =	simm.s32 $0x6A00;
	[dreg:$0xc] =	wrdreg s28;
	s3 =	sshll.u32 s10, $0x5  }
0x12: {  	s21 =	sshll.u32 s10, $0x2;
	s8 =	sshll.u32 s10, $0xD;
	s10 =	sadd.s32 $0x7100, s0  }
0x13: {  	s15 =	simm.s32 $0x7200;
	s6 =	sadd.s32 s1, s21;
	[dreg:$0x16] =	wrdreg s10  }
0x14: {  	s11 =	sor.u32 $0x10, s3;
	s3 =	sadd.s32 $0x6B00, s0;
	[dreg:$0x4] =	wrdreg s6  }
0x15: {  	s26 =	simm.s32 $0x1;
	s13 =	sadd.s32 s12, s8;
	[dreg:$0x10] =	wrdreg s3  }
0x16: {  	s16 =	sadd.s32 s22, s8;
	s25 =	sadd.s32 s20, s21;
	[dreg:$0x6] =	wrdreg s13  }
0x17: {  	s21 =	simm.s32 $0x200;
	s5 =	sshrl.u32 s11, $0x3;
	[dreg:$0x8] =	wrdreg s16  }
0x18: {  	s6 =	sadd.s32 $0x6E00, s0;
	s23 =	sshll.u32 s11, $0x8;
	[dreg:$0xa] =	wrdreg s25  }
0x19: {  	s11 =	sadd.s32 $0x86B00, s0;
	s13 =	sadd.s32 $0x86D00, s0;
	[dreg:$0x13] =	wrdreg s6  }
0x1a: {  	s25 =	simm.s32 $0x4A00;
	s3 =	simm.s32 $0x5200;
	[dreg:$0x17] =	wrdreg s11  }
0x1b: {  	s16 =	simm.s32 $0x7A00;
	s4 =	sadd.s32 s20, s5;
	[dreg:$0x19] =	wrdreg s13  }
0x1c: {  	s29 =	sadd.s32 s1, s5;
	s5 =	sadd.s32 $0x6D00, s0;
	[dreg:$0x3] =	wrdreg s4  }
0x1d: {  	s12 =	sadd.s32 s12, s23;
	s22 =	sadd.s32 s22, s23;
	[dreg:$0x5] =	wrdreg s29  }
0x1e: {  	s23 =	ssub.s32 $0x2, s19;
	s20 =	simm.s32 $0x2;
	[dreg:$0x12] =	wrdreg s5  }
0x1f: {  	s1 =	simm.s32 $0x2A00;
	s13 =	simm.s32 $0x6200;
	[dreg:$0x7] =	wrdreg s12  }
0x20: {  	s4 =	sadd.s32 $0x6C00, s0;
	s12 =	sadd.s32 $0x86C00, s0;
	[dreg:$0x9] =	wrdreg s22  }
0x21: {  	s24 =	sshrl.u32 s23, $0x1;
	s29 =	simm.s32 $0x180;
	[dreg:$0x11] =	wrdreg s4  }
0x22: {  	v2 =	vlaneseq.u32;
	s22 =	simm.s32 $0x3200;
	s5 =	simm.s32 $0x5A00;
	[dreg:$0x18] =	wrdreg s12  }
0x23: {  	vm0 =	vmmov $0xffff;
	v1 =	vshrl.u32 v2, $0x3;
	s0 =	ssub.s32 s23, s24;
	[dreg:$0xd] =	wrdreg s29;
	s23 =	simm.s32 $0x3A00  }
0x24: {  	v0 =	vand.u32 $0x7, v2;
	v2 =	vor.u32 $0x8, v2;
	v1 =	vmul.u32 $0x8, v1;
	s24 =	simm.s32 $0x4200;
	s19 =	smax.u32 s0, $0x1;
	s0 =	simm.s32 $0x2200  }
.LBB2_2:
0x25: {  	s28 =	rddreg [dreg:$0xa]  }
0x26: {  	[tilespmem:s2], [sflag:$0x2] =	stream.linear.gather [hbm4b:s28+s2], $0x10, $0x38;
	[tilespmem:$0x8200] =	vst v63  }
0x27: {  	_ =	swait.ge [sflag:s20], $0x10  }
0x28: {  	s8 =	rddreg [dreg:$0x3];
	[sflag:s20] =	ssyncset.done $0x0  }
0x29: {  	s29 =	rddreg [dreg:$0xb];
	[sflag:s20] =	ssyncadd.s32 $0xFFFFFFF0  }
0x2a: {  	[tilespmem:s29], [sflag:$0x2] =	stream.linear.gather [hbm4b:s8+s2], $0x10, $0x38;
	[tilespmem:$0x8200] =	vst v63  }
0x2b: {  	_ =	swait.ge [sflag:s20], $0x10  }
0x2c: {  	s9 =	rddreg [dreg:$0x4];
	[sflag:s20] =	ssyncset.done $0x0  }
0x2d: {  	s10 =	rddreg [dreg:$0xc];
	[sflag:s20] =	ssyncadd.s32 $0xFFFFFFF0  }
0x2e: {  	[tilespmem:s10], [sflag:$0x2] =	stream.linear.gather [hbm4b:s9+s2], $0x10, $0x38;
	[tilespmem:$0x8200] =	vst v63  }
0x2f: {  	_ =	swait.ge [sflag:s20], $0x10  }
0x30: {  	s11 =	rddreg [dreg:$0x5];
	[sflag:s20] =	ssyncset.done $0x0  }
0x31: {  	s12 =	rddreg [dreg:$0xd];
	[sflag:s20] =	ssyncadd.s32 $0xFFFFFFF0  }
0x32: {  	[tilespmem:s12], [sflag:$0x2] =	stream.linear.gather [hbm4b:s11+s2], $0x10, $0x38;
	[tilespmem:$0x8200] =	vst v63  }
0x33: {  	_ =	swait.ge [sflag:s20], $0x10  }
0x34: {  	[sflag:s20] =	ssyncset.done $0x0  }
0x35: {  	[sflag:s20] =	ssyncadd.s32 $0xFFFFFFF0  }
0x36: {  	v3 =	vld [tilespmem:$0x0];
	_ =	sdelay $0x4  }
0x37: {  	v4 =	vshll.u32 v3, $0x4  }
0x38: {  	v3 =	vand.u32 $0x7, v3;
	v4 =	vand.u32 $0xFFFFFF80, v4  }
0x39: {  	v3 =	vor.u32 v3, v4  }
0x3a: {  	v4 =	vperm.xlane v3, v0;
	_ =	sdelay $0x1  }
0x3b: {  	v4 =	vadd.s32 v1, v4;
	_ =	sdelay $0x3  }
0x3c: {  	s4 =	rddreg [dreg:$0xe]  }
0x3d: {  	[tilespmem:s21], [sflag:$0x1] =	stream.indirect_vreg.gather [hbm4b:s4+s2], $0x80, v4, vm0, $0xb8;
	[tilespmem:$0x8200] =	vst v63  }
0x3e: {  	s29 =	simm.s32 $0xA00;
	s6 =	rddreg [dreg:$0x10]  }
0x3f: {  	[tilespmem:s29], [sflag:$0x1] =	stream.indirect_vreg.gather [hbm4b:s6+s2], $0x80, v4, vm0, $0xb8;
	[tilespmem:$0x8200] =	vst v63  }
0x40: {  	s7 =	rddreg [dreg:$0x11]  }
0x41: {  	[tilespmem:s30], [sflag:$0x1] =	stream.indirect_vreg.gather [hbm4b:s7+s2], $0x80, v4, vm0, $0xb8;
	[tilespmem:$0x8200] =	vst v63  }
0x42: {  	s8 =	rddreg [dreg:$0x12]  }
0x43: {  	[tilespmem:s31], [sflag:$0x1] =	stream.indirect_vreg.gather [hbm4b:s8+s2], $0x80, v4, vm0, $0xb8;
	[tilespmem:$0x8200] =	vst v63  }
0x44: {  	s9 =	rddreg [dreg:$0x13]  }
0x45: {  	[tilespmem:s0], [sflag:$0x1] =	stream.indirect_vreg.gather [hbm4b:s9+s2], $0x80, v4, vm0, $0xb8;
	[tilespmem:$0x8200] =	vst v63  }
0x46: {  	s10 =	rddreg [dreg:$0x14];
	v3 =	vperm.xlane v3, v2  }
0x47: {  	[tilespmem:s1], [sflag:$0x1] =	stream.indirect_vreg.gather [hbm4b:s10+s2], $0x80, v4, vm0, $0xb8;
	[tilespmem:$0x8200] =	vst v63  }
0x48: {  	s11 =	rddreg [dreg:$0x15];
	v3 =	vadd.s32 v1, v3  }
0x49: {  	[tilespmem:s22], [sflag:$0x1] =	stream.indirect_vreg.gather [hbm4b:s11+s2], $0x80, v4, vm0, $0xb8;
	[tilespmem:$0x8200] =	vst v63  }
0x4a: {  	s12 =	rddreg [dreg:$0x16]  }
0x4b: {  	[tilespmem:s23], [sflag:$0x1] =	stream.indirect_vreg.gather [hbm4b:s12+s2], $0x80, v4, vm0, $0xb8;
	[tilespmem:$0x8200] =	vst v63  }
0x4c: {  	_ = 	snop  }
0x4d: {  	[tilespmem:s24], [sflag:$0x1] =	stream.indirect_vreg.gather [hbm4b:s4+s2], $0x80, v3, vm0, $0xb8;
	[tilespmem:$0x8200] =	vst v63  }
0x4e: {  	_ = 	snop  }
0x4f: {  	[tilespmem:s25], [sflag:$0x1] =	stream.indirect_vreg.gather [hbm4b:s6+s2], $0x80, v3, vm0, $0xb8;
	[tilespmem:$0x8200] =	vst v63  }
0x50: {  	_ = 	snop  }
0x51: {  	[tilespmem:s3], [sflag:$0x1] =	stream.indirect_vreg.gather [hbm4b:s7+s2], $0x80, v3, vm0, $0xb8;
	[tilespmem:$0x8200] =	vst v63  }
0x52: {  	_ = 	snop  }
0x53: {  	[tilespmem:s5], [sflag:$0x1] =	stream.indirect_vreg.gather [hbm4b:s8+s2], $0x80, v3, vm0, $0xb8;
	[tilespmem:$0x8200] =	vst v63  }
0x54: {  	_ = 	snop  }
0x55: {  	[tilespmem:s13], [sflag:$0x1] =	stream.indirect_vreg.gather [hbm4b:s9+s2], $0x80, v3, vm0, $0xb8;
	[tilespmem:$0x8200] =	vst v63  }
0x56: {  	_ = 	snop  }
0x57: {  	[tilespmem:s14], [sflag:$0x1] =	stream.indirect_vreg.gather [hbm4b:s10+s2], $0x80, v3, vm0, $0xb8;
	[tilespmem:$0x8200] =	vst v63  }
0x58: {  	_ = 	snop  }
0x59: {  	[tilespmem:s15], [sflag:$0x1] =	stream.indirect_vreg.gather [hbm4b:s11+s2], $0x80, v3, vm0, $0xb8;
	[tilespmem:$0x8200] =	vst v63  }
0x5a: {  	_ = 	snop  }
0x5b: {  	[tilespmem:s16], [sflag:$0x1] =	stream.indirect_vreg.gather [hbm4b:s12+s2], $0x80, v3, vm0, $0xb8;
	[tilespmem:$0x8200] =	vst v63  }
0x5c: {  	_ =	swait.ge [sflag:s26], $0x8000  }
0x5d: {  	[sflag:s26] =	ssyncset.done $0x0  }
0x5e: {  	s28 =	rddreg [dreg:$0x6];
	[sflag:s26] =	ssyncadd.s32 $0xFFFF8000  }
0x5f: {  	[hbm4b:s28+s2] =	stream.linear.scatter [tilespmem:s21], [sflag:$0x2], $0x8000, $0x38;
	[tilespmem:$0x8200] =	vst v63  }
0x60: {  	_ =	swait.ge [sflag:s20], $0x8000  }
0x61: {  	[sflag:s20] =	ssyncset.done $0x0  }
0x62: {  	[sflag:s20] =	ssyncadd.s32 $0xFFFF8000  }
0x63: {  	v3 =	vld [tilespmem:$0x80];
	_ =	sdelay $0x4  }
0x64: {  	v61 =	vshll.u32 v3, $0x4  }
0x65: {  	v3 =	vand.u32 $0x7, v3;
	v4 =	vand.u32 $0xFFFFFF80, v61  }
0x66: {  	v3 =	vor.u32 v3, v4  }
0x67: {  	v4 =	vperm.xlane v3, v0;
	_ =	sdelay $0x1  }
0x68: {  	v4 =	vadd.s32 v1, v4;
	_ =	sdelay $0x4  }
0x69: {  	[tilespmem:s21], [sflag:$0x1] =	stream.indirect_vreg.gather [hbm4b:s4+s2], $0x80, v4, vm0, $0xb8;
	[tilespmem:$0x8200] =	vst v63  }
0x6a: {  	_ = 	snop  }
0x6b: {  	[tilespmem:s29], [sflag:$0x1] =	stream.indirect_vreg.gather [hbm4b:s6+s2], $0x80, v4, vm0, $0xb8;
	[tilespmem:$0x8200] =	vst v63  }
0x6c: {  	_ = 	snop  }
0x6d: {  	[tilespmem:s30], [sflag:$0x1] =	stream.indirect_vreg.gather [hbm4b:s7+s2], $0x80, v4, vm0, $0xb8;
	[tilespmem:$0x8200] =	vst v63  }
0x6e: {  	_ = 	snop  }
0x6f: {  	[tilespmem:s31], [sflag:$0x1] =	stream.indirect_vreg.gather [hbm4b:s8+s2], $0x80, v4, vm0, $0xb8;
	[tilespmem:$0x8200] =	vst v63  }
0x70: {  	_ = 	snop  }
0x71: {  	[tilespmem:s0], [sflag:$0x1] =	stream.indirect_vreg.gather [hbm4b:s9+s2], $0x80, v4, vm0, $0xb8;
	[tilespmem:$0x8200] =	vst v63  }
0x72: {  	v3 =	vperm.xlane v3, v2  }
0x73: {  	[tilespmem:s1], [sflag:$0x1] =	stream.indirect_vreg.gather [hbm4b:s10+s2], $0x80, v4, vm0, $0xb8;
	[tilespmem:$0x8200] =	vst v63  }
0x74: {  	v3 =	vadd.s32 v1, v3  }
0x75: {  	[tilespmem:s22], [sflag:$0x1] =	stream.indirect_vreg.gather [hbm4b:s11+s2], $0x80, v4, vm0, $0xb8;
	[tilespmem:$0x8200] =	vst v63  }
0x76: {  	_ = 	snop  }
0x77: {  	[tilespmem:s23], [sflag:$0x1] =	stream.indirect_vreg.gather [hbm4b:s12+s2], $0x80, v4, vm0, $0xb8;
	[tilespmem:$0x8200] =	vst v63  }
0x78: {  	_ = 	snop  }
0x79: {  	[tilespmem:s24], [sflag:$0x1] =	stream.indirect_vreg.gather [hbm4b:s4+s2], $0x80, v3, vm0, $0xb8;
	[tilespmem:$0x8200] =	vst v63  }
0x7a: {  	_ = 	snop  }
0x7b: {  	[tilespmem:s25], [sflag:$0x1] =	stream.indirect_vreg.gather [hbm4b:s6+s2], $0x80, v3, vm0, $0xb8;
	[tilespmem:$0x8200] =	vst v63  }
0x7c: {  	_ = 	snop  }
0x7d: {  	[tilespmem:s3], [sflag:$0x1] =	stream.indirect_vreg.gather [hbm4b:s7+s2], $0x80, v3, vm0, $0xb8;
	[tilespmem:$0x8200] =	vst v63  }
0x7e: {  	_ = 	snop  }
0x7f: {  	[tilespmem:s5], [sflag:$0x1] =	stream.indirect_vreg.gather [hbm4b:s8+s2], $0x80, v3, vm0, $0xb8;
	[tilespmem:$0x8200] =	vst v63  }
0x80: {  	_ = 	snop  }
0x81: {  	[tilespmem:s13], [sflag:$0x1] =	stream.indirect_vreg.gather [hbm4b:s9+s2], $0x80, v3, vm0, $0xb8;
	[tilespmem:$0x8200] =	vst v63  }
0x82: {  	_ = 	snop  }
0x83: {  	[tilespmem:s14], [sflag:$0x1] =	stream.indirect_vreg.gather [hbm4b:s10+s2], $0x80, v3, vm0, $0xb8;
	[tilespmem:$0x8200] =	vst v63  }
0x84: {  	_ = 	snop  }
0x85: {  	[tilespmem:s15], [sflag:$0x1] =	stream.indirect_vreg.gather [hbm4b:s11+s2], $0x80, v3, vm0, $0xb8;
	[tilespmem:$0x8200] =	vst v63  }
0x86: {  	_ = 	snop  }
0x87: {  	[tilespmem:s16], [sflag:$0x1] =	stream.indirect_vreg.gather [hbm4b:s12+s2], $0x80, v3, vm0, $0xb8;
	[tilespmem:$0x8200] =	vst v63  }
0x88: {  	_ =	swait.ge [sflag:s26], $0x8000  }
0x89: {  	[sflag:s26] =	ssyncset.done $0x0  }
0x8a: {  	s4 =	rddreg [dreg:$0x7];
	[sflag:s26] =	ssyncadd.s32 $0xFFFF8000  }
0x8b: {  	[hbm4b:s4+s2] =	stream.linear.scatter [tilespmem:s21], [sflag:$0x2], $0x8000, $0x38;
	[tilespmem:$0x8200] =	vst v63  }
0x8c: {  	_ =	swait.ge [sflag:s20], $0x8000  }
0x8d: {  	[sflag:s20] =	ssyncset.done $0x0  }
0x8e: {  	[sflag:s20] =	ssyncadd.s32 $0xFFFF8000  }
0x8f: {  	v3 =	vld [tilespmem:$0x100];
	_ =	sdelay $0x4  }
0x90: {  	v62 =	vshll.u32 v3, $0x4  }
0x91: {  	v3 =	vand.u32 $0x7, v3;
	v4 =	vand.u32 $0xFFFFFF80, v62  }
0x92: {  	v3 =	vor.u32 v3, v4  }
0x93: {  	v4 =	vperm.xlane v3, v0;
	_ =	sdelay $0x1  }
0x94: {  	v4 =	vadd.s32 v1, v4;
	_ =	sdelay $0x3  }
0x95: {  	s6 =	rddreg [dreg:$0xf]  }
0x96: {  	[tilespmem:s21], [sflag:$0x1] =	stream.indirect_vreg.gather [hbm4b:s6+s2], $0x80, v4, vm0, $0xb8;
	[tilespmem:$0x8200] =	vst v63  }
0x97: {  	s7 =	rddreg [dreg:$0x17]  }
0x98: {  	[tilespmem:s29], [sflag:$0x1] =	stream.indirect_vreg.gather [hbm4b:s7+s2], $0x80, v4, vm0, $0xb8;
	[tilespmem:$0x8200] =	vst v63  }
0x99: {  	s8 =	rddreg [dreg:$0x18]  }
0x9a: {  	[tilespmem:s30], [sflag:$0x1] =	stream.indirect_vreg.gather [hbm4b:s8+s2], $0x80, v4, vm0, $0xb8;
	[tilespmem:$0x8200] =	vst v63  }
0x9b: {  	s9 =	rddreg [dreg:$0x19]  }
0x9c: {  	[tilespmem:s31], [sflag:$0x1] =	stream.indirect_vreg.gather [hbm4b:s9+s2], $0x80, v4, vm0, $0xb8;
	[tilespmem:$0x8200] =	vst v63  }
0x9d: {  	s10 =	rddreg [dreg:$0x1a]  }
0x9e: {  	[tilespmem:s0], [sflag:$0x1] =	stream.indirect_vreg.gather [hbm4b:s10+s2], $0x80, v4, vm0, $0xb8;
	[tilespmem:$0x8200] =	vst v63  }
0x9f: {  	s11 =	rddreg [dreg:$0x1b];
	v3 =	vperm.xlane v3, v2  }
0xa0: {  	[tilespmem:s1], [sflag:$0x1] =	stream.indirect_vreg.gather [hbm4b:s11+s2], $0x80, v4, vm0, $0xb8;
	[tilespmem:$0x8200] =	vst v63  }
0xa1: {  	v3 =	vadd.s32 v1, v3  }
0xa2: {  	[tilespmem:s22], [sflag:$0x1] =	stream.indirect_vreg.gather [hbm4b:s17+s2], $0x80, v4, vm0, $0xb8;
	[tilespmem:$0x8200] =	vst v63  }
0xa3: {  	_ = 	snop  }
0xa4: {  	[tilespmem:s23], [sflag:$0x1] =	stream.indirect_vreg.gather [hbm4b:s18+s2], $0x80, v4, vm0, $0xb8;
	[tilespmem:$0x8200] =	vst v63  }
0xa5: {  	_ = 	snop  }
0xa6: {  	[tilespmem:s24], [sflag:$0x1] =	stream.indirect_vreg.gather [hbm4b:s6+s2], $0x80, v3, vm0, $0xb8;
	[tilespmem:$0x8200] =	vst v63  }
0xa7: {  	_ = 	snop  }
0xa8: {  	[tilespmem:s25], [sflag:$0x1] =	stream.indirect_vreg.gather [hbm4b:s7+s2], $0x80, v3, vm0, $0xb8;
	[tilespmem:$0x8200] =	vst v63  }
0xa9: {  	_ = 	snop  }
0xaa: {  	[tilespmem:s3], [sflag:$0x1] =	stream.indirect_vreg.gather [hbm4b:s8+s2], $0x80, v3, vm0, $0xb8;
	[tilespmem:$0x8200] =	vst v63  }
0xab: {  	_ = 	snop  }
0xac: {  	[tilespmem:s5], [sflag:$0x1] =	stream.indirect_vreg.gather [hbm4b:s9+s2], $0x80, v3, vm0, $0xb8;
	[tilespmem:$0x8200] =	vst v63  }
0xad: {  	_ = 	snop  }
0xae: {  	[tilespmem:s13], [sflag:$0x1] =	stream.indirect_vreg.gather [hbm4b:s10+s2], $0x80, v3, vm0, $0xb8;
	[tilespmem:$0x8200] =	vst v63  }
0xaf: {  	_ = 	snop  }
0xb0: {  	[tilespmem:s14], [sflag:$0x1] =	stream.indirect_vreg.gather [hbm4b:s11+s2], $0x80, v3, vm0, $0xb8;
	[tilespmem:$0x8200] =	vst v63  }
0xb1: {  	_ = 	snop  }
0xb2: {  	[tilespmem:s15], [sflag:$0x1] =	stream.indirect_vreg.gather [hbm4b:s17+s2], $0x80, v3, vm0, $0xb8;
	[tilespmem:$0x8200] =	vst v63  }
0xb3: {  	_ = 	snop  }
0xb4: {  	[tilespmem:s16], [sflag:$0x1] =	stream.indirect_vreg.gather [hbm4b:s18+s2], $0x80, v3, vm0, $0xb8;
	[tilespmem:$0x8200] =	vst v63  }
0xb5: {  	_ =	swait.ge [sflag:s26], $0x8000  }
0xb6: {  	[sflag:s26] =	ssyncset.done $0x0  }
0xb7: {  	s12 =	rddreg [dreg:$0x8];
	[sflag:s26] =	ssyncadd.s32 $0xFFFF8000  }
0xb8: {  	[hbm4b:s12+s2] =	stream.linear.scatter [tilespmem:s21], [sflag:$0x2], $0x8000, $0x38;
	[tilespmem:$0x8200] =	vst v63  }
0xb9: {  	_ =	swait.ge [sflag:s20], $0x8000  }
0xba: {  	[sflag:s20] =	ssyncset.done $0x0  }
0xbb: {  	[sflag:s20] =	ssyncadd.s32 $0xFFFF8000  }
0xbc: {  	v3 =	vld [tilespmem:$0x180];
	_ =	sdelay $0x4  }
0xbd: {  	v63 =	vshll.u32 v3, $0x4  }
0xbe: {  	v3 =	vand.u32 $0x7, v3;
	v4 =	vand.u32 $0xFFFFFF80, v63  }
0xbf: {  	v3 =	vor.u32 v3, v4  }
0xc0: {  	v4 =	vperm.xlane v3, v0;
	_ =	sdelay $0x1  }
0xc1: {  	v4 =	vadd.s32 v1, v4;
	_ =	sdelay $0x4  }
0xc2: {  	[tilespmem:s21], [sflag:$0x1] =	stream.indirect_vreg.gather [hbm4b:s6+s2], $0x80, v4, vm0, $0xb8;
	[tilespmem:$0x8200] =	vst v63  }
0xc3: {  	_ = 	snop  }
0xc4: {  	[tilespmem:s29], [sflag:$0x1] =	stream.indirect_vreg.gather [hbm4b:s7+s2], $0x80, v4, vm0, $0xb8;
	[tilespmem:$0x8200] =	vst v63  }
0xc5: {  	_ = 	snop  }
0xc6: {  	[tilespmem:s30], [sflag:$0x1] =	stream.indirect_vreg.gather [hbm4b:s8+s2], $0x80, v4, vm0, $0xb8;
	[tilespmem:$0x8200] =	vst v63  }
0xc7: {  	_ = 	snop  }
0xc8: {  	[tilespmem:s31], [sflag:$0x1] =	stream.indirect_vreg.gather [hbm4b:s9+s2], $0x80, v4, vm0, $0xb8;
	[tilespmem:$0x8200] =	vst v63  }
0xc9: {  	_ = 	snop  }
0xca: {  	[tilespmem:s0], [sflag:$0x1] =	stream.indirect_vreg.gather [hbm4b:s10+s2], $0x80, v4, vm0, $0xb8;
	[tilespmem:$0x8200] =	vst v63  }
0xcb: {  	v3 =	vperm.xlane v3, v2  }
0xcc: {  	[tilespmem:s1], [sflag:$0x1] =	stream.indirect_vreg.gather [hbm4b:s11+s2], $0x80, v4, vm0, $0xb8;
	[tilespmem:$0x8200] =	vst v63  }
0xcd: {  	v3 =	vadd.s32 v1, v3  }
0xce: {  	[tilespmem:s22], [sflag:$0x1] =	stream.indirect_vreg.gather [hbm4b:s17+s2], $0x80, v4, vm0, $0xb8;
	[tilespmem:$0x8200] =	vst v63  }
0xcf: {  	_ = 	snop  }
0xd0: {  	[tilespmem:s23], [sflag:$0x1] =	stream.indirect_vreg.gather [hbm4b:s18+s2], $0x80, v4, vm0, $0xb8;
	[tilespmem:$0x8200] =	vst v63  }
0xd1: {  	_ = 	snop  }
0xd2: {  	[tilespmem:s24], [sflag:$0x1] =	stream.indirect_vreg.gather [hbm4b:s6+s2], $0x80, v3, vm0, $0xb8;
	[tilespmem:$0x8200] =	vst v63  }
0xd3: {  	_ = 	snop  }
0xd4: {  	[tilespmem:s25], [sflag:$0x1] =	stream.indirect_vreg.gather [hbm4b:s7+s2], $0x80, v3, vm0, $0xb8;
	[tilespmem:$0x8200] =	vst v63  }
0xd5: {  	_ = 	snop  }
0xd6: {  	[tilespmem:s3], [sflag:$0x1] =	stream.indirect_vreg.gather [hbm4b:s8+s2], $0x80, v3, vm0, $0xb8;
	[tilespmem:$0x8200] =	vst v63  }
0xd7: {  	_ = 	snop  }
0xd8: {  	[tilespmem:s5], [sflag:$0x1] =	stream.indirect_vreg.gather [hbm4b:s9+s2], $0x80, v3, vm0, $0xb8;
	[tilespmem:$0x8200] =	vst v63  }
0xd9: {  	_ = 	snop  }
0xda: {  	[tilespmem:s13], [sflag:$0x1] =	stream.indirect_vreg.gather [hbm4b:s10+s2], $0x80, v3, vm0, $0xb8;
	[tilespmem:$0x8200] =	vst v63  }
0xdb: {  	_ = 	snop  }
0xdc: {  	[tilespmem:s14], [sflag:$0x1] =	stream.indirect_vreg.gather [hbm4b:s11+s2], $0x80, v3, vm0, $0xb8;
	[tilespmem:$0x8200] =	vst v63  }
0xdd: {  	_ = 	snop  }
0xde: {  	[tilespmem:s15], [sflag:$0x1] =	stream.indirect_vreg.gather [hbm4b:s17+s2], $0x80, v3, vm0, $0xb8;
	[tilespmem:$0x8200] =	vst v63  }
0xdf: {  	_ = 	snop  }
0xe0: {  	[tilespmem:s16], [sflag:$0x1] =	stream.indirect_vreg.gather [hbm4b:s18+s2], $0x80, v3, vm0, $0xb8;
	[tilespmem:$0x8200] =	vst v63  }
0xe1: {  	_ =	swait.ge [sflag:s26], $0x8000  }
0xe2: {  	p0 =	sne.s32 s19, $0x1;
	[sflag:s26] =	ssyncset.done $0x0  }
.Ltmp1:
0xe3: {  	s29 =	rddreg [dreg:$0x9];
	[sflag:s26] =	ssyncadd.s32 $0xFFFF8000;
	(pc) =	sbr.rel @p0 .LBB2_2-.Ltmp1, $4  }
0xe4: {  	[hbm4b:s29+s2] =	stream.linear.scatter [tilespmem:s21], [sflag:$0x2], $0x8000, $0x38;
	[tilespmem:$0x8200] =	vst v63  }
0xe5: {  	_ =	swait.ge [sflag:s20], $0x8000  }
0xe6: {  	[sflag:s20] =	ssyncset.done $0x0  }
0xe7: {  	s19 =	sadd.s32 $0xFFFFFFFF, s19;
	[sflag:s20] =	ssyncadd.s32 $0xFFFF8000  }
.LBB2_3:
0xe8: {  	_ =	sfence.sel $0x180000  }
0xe9: {  	[bflag:$0x0] =	sbarrier.arrive $0xFFFF  }
0xea: {  	_ =	strace $0x90000047  }
0xeb: {  	s0 =	stileid.u32;
	[bflag:$0x2] =	sbarrier.arrive $0xFFFF  }
0xec: {  	p0 =	sne.s32 s0, $0x0;
	s0 =	rddreg [dreg:$0x2]  }
0xed: {  	s0 =	sadd.s32 @!p0 $0x100000, s0  }
0xee: {  	[sflag:s0] =	ssyncadd.tile.s32 @!p0 $0x1;
	_ =	shalt  }
.Lfunc_end2:
_tile_overlayer_lowered:
.L_overlay_start_2:
0xef: {  	(tag) =	ssettag $0x2  }
0xf0: {  	s0 =	rddreg [dreg:$0x0];
	s2 =	stileid.u32  }
0xf1: {  	s1 =	rddreg [dreg:$0x1];
	p0 =	sne.s32 s2, $0x0  }
0xf2: {  	s3 =	rddreg [dreg:$0x2];
	[bflag:$0x3] =	sbarrier.arrive $0xFFFF;
	s2 =	simm.s32 @!p0 $0x1C02  }
0xf3: {  	[timem:s3], [sflag:s2] =	dma.local @!p0 [hbm:s0], s1  }
0xf4: {  	s0 =	simm.s32 @!p0 $0x2  }
0xf5: {  	_ =	swait.ge @!p0 [sflag:s0], s1  }
0xf6: {  	s1 =	ssub.s32 @!p0 $0x0, s1;
	[sflag:s0] =	ssyncset.done @!p0 $0x0  }
0xf7: {  	[sflag:s0] =	ssyncadd.s32 @!p0 s1  }
0xf8: {  	[bflag:$0x3] =	sbarrier.arrive $0xFFFF  }
0xf9: {  	_ =	shalt  }

</sc_bundles>
